<compile_context>
chip_gen: v7x
topology: tpu7x:2x2x1
jax: 0.10.2.dev20260603
libtpu: 0.0.44.dev20260713+nightly
codegen_flags: <defaults>
</compile_context>

<pallas_src>
import functools

import jax
import jax.numpy as jnp
from jax import lax
from jax.experimental import pallas as pl
from jax.experimental.pallas import tpu as pltpu
from jax.experimental.pallas import tpu_sc as plsc

_NC = 2
_NS = 16
_NW = _NC * _NS
_LANES = 16


@functools.cache
def _build_pairtype(E, A, n):
    per_w = E // _NW
    assert per_w * _NW == E and per_w % 8 == 0
    n_groups = -(-per_w // _LANES)
    n_full = per_w // _LANES
    buf = n_groups * _LANES
    unroll = 13
    assert n_full % unroll == 0

    mesh = plsc.VectorSubcoreMesh(core_axis_name="c", subcore_axis_name="s")

    @functools.partial(
        pl.kernel,
        out_type=jax.ShapeDtypeStruct((E,), jnp.int32),
        mesh=mesh,
        compiler_params=pltpu.CompilerParams(needs_layout_passes=False),
        scratch_types=[
            pltpu.VMEM((buf,), jnp.int32),
            pltpu.VMEM((buf,), jnp.int32),
            pltpu.VMEM((buf,), jnp.int32),
            pltpu.VMEM((A,), jnp.int32),
            pltpu.VMEM((n * n,), jnp.int32),
            pltpu.SemaphoreType.DMA,
        ],
    )
    def sc_call(z1_hbm, z2_hbm, aw_hbm, pi_hbm, pt_hbm, z1v, z2v, ptv, aw_v, pi_v,
                sem):
        wid = lax.axis_index("s") * _NC + lax.axis_index("c")
        base = wid * per_w

        ones_i = jnp.ones((_LANES,), jnp.int32)
        z1v[pl.ds(n_full * _LANES, _LANES)] = ones_i
        z2v[pl.ds(n_full * _LANES, _LANES)] = ones_i

        copies = [
            pltpu.make_async_copy(aw_hbm, aw_v, sem),
            pltpu.make_async_copy(pi_hbm, pi_v, sem),
            pltpu.make_async_copy(z1_hbm.at[pl.ds(base, per_w)],
                                  z1v.at[pl.ds(0, per_w)], sem),
            pltpu.make_async_copy(z2_hbm.at[pl.ds(base, per_w)],
                                  z2v.at[pl.ds(0, per_w)], sem),
        ]
        for c in copies:
            c.start()
        for c in copies:
            c.wait()

        def group(g):
            ia = plsc.load_gather(aw_v, [z1v[pl.ds(g * _LANES, _LANES)] - 1])
            ib = plsc.load_gather(aw_v, [z2v[pl.ds(g * _LANES, _LANES)] - 1])
            ptv[pl.ds(g * _LANES, _LANES)] = plsc.load_gather(pi_v, [ia * n + ib])

        def loop_body(t, carry):
            for j in range(unroll):
                group(t * unroll + j)
            return carry
        lax.fori_loop(0, n_full // unroll, loop_body, 0)
        for g in range(n_full, n_groups):
            group(g)

        pltpu.sync_copy(ptv.at[pl.ds(0, per_w)], pt_hbm.at[pl.ds(base, per_w)])

    return sc_call


@functools.cache
def _build_onehot_t(E, C):
    assert E % 128 == 0
    rows = E // 128
    pt_rows_pb = 64
    cols_pb = pt_rows_pb * 128
    grid = -(-rows // pt_rows_pb)

    def body(pt_ref, out_ref):
        ciota = lax.broadcasted_iota(jnp.int32, (C, 128), 0)
        for j in range(pt_rows_pb):
            row = pt_ref[pl.ds(j, 1), :]
            out_ref[:, pl.ds(j * 128, 128)] = (row == ciota).astype(jnp.float32)

    return pl.pallas_call(
        body,
        grid=(grid,),
        in_specs=[pl.BlockSpec((pt_rows_pb, 128), lambda i: (i, 0))],
        out_specs=pl.BlockSpec((C, cols_pb), lambda i: (0, i)),
        out_shape=jax.ShapeDtypeStruct((C, E), jnp.float32),
    )


def kernel(z1, z2, atom_weight, pair_ids, onehot_table):
    E = z1.shape[0]
    A = atom_weight.shape[0]
    n = pair_ids.shape[0]
    C = onehot_table.shape[1]
    pt = _build_pairtype(E, A, n)(z1, z2, atom_weight, pair_ids.reshape(-1))
    return _build_onehot_t(E, C)(pt.reshape(E // 128, 128)).T

# --- scband reference (transcript-rebuilt; emitter-appended) ---
"""Pipeline reference for scband-atom-pair-type-52123723104465 (READ-ONLY COPY).

The authoritative reference and input builder live on the scoring server;
editing this copy changes nothing except your own understanding.
"""

import jax, jax.numpy as jnp
import numpy as np

SPECIES = tuple(range(1, 18))
N_SPECIES = len(SPECIES)
NUM_CLASSES = N_SPECIES * (N_SPECIES + 1) // 2
E = 160000


def _build_tables():
    # AtomType: frozen embedding weight mapping atomic number z (1..118) -> compact id
    w = -np.ones(118, dtype=np.int32)
    for idx, z in enumerate(SPECIES):
        w[z - 1] = idx
    # AtomPairType symmetric ids: upper-triangular enumeration, symmetrized
    n = N_SPECIES
    a = np.zeros((n, n), dtype=np.int32)
    rows, cols = np.triu_indices(n)
    for idx, (r, c) in enumerate(zip(rows, cols)):
        a[r, c] = idx
    a = a + np.triu(a, 1).T
    return jnp.asarray(w), jnp.asarray(a)


def setup_inputs(seed: int = 0) -> dict:
    key = jax.random.key(seed)
    k1, k2 = jax.random.split(key)
    # atomic numbers in [1, 17] so every z is a valid species (z=0 would be out of range)
    z1 = jax.random.randint(k1, (E,), 1, 18, dtype=jnp.int32)
    z2 = jax.random.randint(k2, (E,), 1, 18, dtype=jnp.int32)
    atom_weight, pair_ids = _build_tables()
    # one-hot realized as a gather from an identity table (equivalent to F.one_hot)
    onehot_table = jnp.eye(NUM_CLASSES, dtype=jnp.float32)
    return {"z1": z1, "z2": z2, "atom_weight": atom_weight, "pair_ids": pair_ids, "onehot_table": onehot_table}


def reference(z1, z2, atom_weight, pair_ids, onehot_table):
    # AtomType.forward: embedding(z - 1).squeeze()
    ia = jnp.take(atom_weight, z1 - 1, axis=0)
    ib = jnp.take(atom_weight, z2 - 1, axis=0)
    # symmetric pair-type lookup: ids[ia, ib]
    pairtype = pair_ids[ia, ib]
    # one_hot(pairtype, num_classes) via identity-table gather
    return jnp.take(onehot_table, pairtype, axis=0)

if __name__ == "__main__":
    import jax
    _d = setup_inputs()
    print(jax.jit(kernel)(*tuple(_d.values())))

</pallas_src>

<mosaic_0001>
#map = affine_map<(d0, d1) -> (0)>
module attributes {stable_mosaic.version = 14 : i64} {
  func.func @sc_call(%arg0: i32, %arg1: i32, %arg2: memref<160000xi32, #tpu.memory_space<hbm>>, %arg3: memref<160000xi32, #tpu.memory_space<hbm>>, %arg4: memref<118xi32, #tpu.memory_space<hbm>>, %arg5: memref<289xi32, #tpu.memory_space<hbm>>, %arg6: memref<160000xi32, #tpu.memory_space<hbm>>, %arg7: memref<5008xi32, #tpu.memory_space<vmem>>, %arg8: memref<5008xi32, #tpu.memory_space<vmem>>, %arg9: memref<5008xi32, #tpu.memory_space<vmem>>, %arg10: memref<118xi32, #tpu.memory_space<vmem>>, %arg11: memref<289xi32, #tpu.memory_space<vmem>>, %arg12: memref<!tpu.dma_semaphore, #tpu.memory_space<semaphore_mem>>) attributes {dimension_semantics = [#tpu.dimension_semantics<core_parallel>, #tpu.dimension_semantics<subcore_parallel>], iteration_bounds = array<i64: 2, 16>, scalar_prefetch = 0 : i64, scratch_operands = 6 : i64, tpu.core_type = #tpu.core_type<sc_vector_subcore>, window_params = [{transform_indices = #map}, {transform_indices = #map}, {transform_indices = #map}, {transform_indices = #map}, {transform_indices = #map}]} {
    %mul3A = arith.constant 2 : i32
    %mul3A_0 = arith.muli %arg1, %mul3A : i32
    %add3A = arith.addi %mul3A_0, %arg0 : i32
    %mul3A_1 = arith.constant 5000 : i32
    %mul3A_2 = arith.muli %add3A, %mul3A_1 : i32
    %broadcast_in_dim3A = arith.constant 1 : i32
    %broadcast_in_dim3A_3 = vector.broadcast %broadcast_in_dim3A : i32 to vector<16xi32>
    %swap3A = arith.constant 4992 : index
    %swap3A_4 = tpu.vector_load %arg7[%swap3A] {strides = array<i32>} : memref<5008xi32, #tpu.memory_space<vmem>>, vector<16xi32>,
    tpu.vector_store %arg7[%swap3A], %broadcast_in_dim3A_3 {strides = array<i32>} : memref<5008xi32, #tpu.memory_space<vmem>>, vector<16xi32>,
    %swap3A_5 = arith.constant 4992 : index
    %swap3A_6 = tpu.vector_load %arg8[%swap3A_5] {strides = array<i32>} : memref<5008xi32, #tpu.memory_space<vmem>>, vector<16xi32>,
    tpu.vector_store %arg8[%swap3A_5], %broadcast_in_dim3A_3 {strides = array<i32>} : memref<5008xi32, #tpu.memory_space<vmem>>, vector<16xi32>,
    tpu.enqueue_dma source(%arg4 : memref<118xi32, #tpu.memory_space<hbm>>) target(%arg10 : memref<118xi32, #tpu.memory_space<vmem>>) target_semaphore(%arg12 : memref<!tpu.dma_semaphore, #tpu.memory_space<semaphore_mem>>)
    tpu.enqueue_dma source(%arg5 : memref<289xi32, #tpu.memory_space<hbm>>) target(%arg11 : memref<289xi32, #tpu.memory_space<vmem>>) target_semaphore(%arg12 : memref<!tpu.dma_semaphore, #tpu.memory_space<semaphore_mem>>)
    %dma_start3A = arith.constant 0 : i32
    %dma_start3A_7 = tpu.memref_slice %arg7[%dma_start3A] : memref<5008xi32, #tpu.memory_space<vmem>> -> memref<5000xi32, #tpu.memory_space<vmem>>
    %dma_start3A_8 = tpu.memref_slice %arg2[%mul3A_2] : memref<160000xi32, #tpu.memory_space<hbm>> -> memref<5000xi32, #tpu.memory_space<hbm>>
    %dma_start3A_9 = arith.constant 0 : i32
    %dma_start3A_10 = tpu.memref_slice %arg7[%dma_start3A_9] : memref<5008xi32, #tpu.memory_space<vmem>> -> memref<5000xi32, #tpu.memory_space<vmem>>
    %dma_start3A_11 = tpu.memref_slice %arg2[%mul3A_2] : memref<160000xi32, #tpu.memory_space<hbm>> -> memref<5000xi32, #tpu.memory_space<hbm>>
    tpu.enqueue_dma source(%dma_start3A_11 : memref<5000xi32, #tpu.memory_space<hbm>>) target(%dma_start3A_10 : memref<5000xi32, #tpu.memory_space<vmem>>) target_semaphore(%arg12 : memref<!tpu.dma_semaphore, #tpu.memory_space<semaphore_mem>>)
    %dma_start3A_12 = arith.constant 0 : i32
    %dma_start3A_13 = tpu.memref_slice %arg8[%dma_start3A_12] : memref<5008xi32, #tpu.memory_space<vmem>> -> memref<5000xi32, #tpu.memory_space<vmem>>
    %dma_start3A_14 = tpu.memref_slice %arg3[%mul3A_2] : memref<160000xi32, #tpu.memory_space<hbm>> -> memref<5000xi32, #tpu.memory_space<hbm>>
    %dma_start3A_15 = arith.constant 0 : i32
    %dma_start3A_16 = tpu.memref_slice %arg8[%dma_start3A_15] : memref<5008xi32, #tpu.memory_space<vmem>> -> memref<5000xi32, #tpu.memory_space<vmem>>
    %dma_start3A_17 = tpu.memref_slice %arg3[%mul3A_2] : memref<160000xi32, #tpu.memory_space<hbm>> -> memref<5000xi32, #tpu.memory_space<hbm>>
    tpu.enqueue_dma source(%dma_start3A_17 : memref<5000xi32, #tpu.memory_space<hbm>>) target(%dma_start3A_16 : memref<5000xi32, #tpu.memory_space<vmem>>) target_semaphore(%arg12 : memref<!tpu.dma_semaphore, #tpu.memory_space<semaphore_mem>>)
    tpu.wait_dma2 semaphore(%arg12 : memref<!tpu.dma_semaphore, #tpu.memory_space<semaphore_mem>>) src(%arg4 : memref<118xi32, #tpu.memory_space<hbm>>) dst(%arg10 : memref<118xi32, #tpu.memory_space<vmem>>)
    tpu.wait_dma2 semaphore(%arg12 : memref<!tpu.dma_semaphore, #tpu.memory_space<semaphore_mem>>) src(%arg5 : memref<289xi32, #tpu.memory_space<hbm>>) dst(%arg11 : memref<289xi32, #tpu.memory_space<vmem>>)
    %dma_wait3A = arith.constant 0 : i32
    %dma_wait3A_18 = tpu.memref_slice %arg7[%dma_wait3A] : memref<5008xi32, #tpu.memory_space<vmem>> -> memref<5000xi32, #tpu.memory_space<vmem>>
    %dma_wait3A_19 = tpu.memref_slice %arg2[%mul3A_2] : memref<160000xi32, #tpu.memory_space<hbm>> -> memref<5000xi32, #tpu.memory_space<hbm>>
    %dma_wait3A_20 = arith.constant 0 : i32
    %dma_wait3A_21 = tpu.memref_slice %arg7[%dma_wait3A_20] : memref<5008xi32, #tpu.memory_space<vmem>> -> memref<5000xi32, #tpu.memory_space<vmem>>
    %dma_wait3A_22 = tpu.memref_slice %arg2[%mul3A_2] : memref<160000xi32, #tpu.memory_space<hbm>> -> memref<5000xi32, #tpu.memory_space<hbm>>
    tpu.wait_dma2 semaphore(%arg12 : memref<!tpu.dma_semaphore, #tpu.memory_space<semaphore_mem>>) src(%dma_wait3A_22 : memref<5000xi32, #tpu.memory_space<hbm>>) dst(%dma_wait3A_21 : memref<5000xi32, #tpu.memory_space<vmem>>)
    %dma_wait3A_23 = arith.constant 0 : i32
    %dma_wait3A_24 = tpu.memref_slice %arg8[%dma_wait3A_23] : memref<5008xi32, #tpu.memory_space<vmem>> -> memref<5000xi32, #tpu.memory_space<vmem>>
    %dma_wait3A_25 = tpu.memref_slice %arg3[%mul3A_2] : memref<160000xi32, #tpu.memory_space<hbm>> -> memref<5000xi32, #tpu.memory_space<hbm>>
    %dma_wait3A_26 = arith.constant 0 : i32
    %dma_wait3A_27 = tpu.memref_slice %arg8[%dma_wait3A_26] : memref<5008xi32, #tpu.memory_space<vmem>> -> memref<5000xi32, #tpu.memory_space<vmem>>
    %dma_wait3A_28 = tpu.memref_slice %arg3[%mul3A_2] : memref<160000xi32, #tpu.memory_space<hbm>> -> memref<5000xi32, #tpu.memory_space<hbm>>
    tpu.wait_dma2 semaphore(%arg12 : memref<!tpu.dma_semaphore, #tpu.memory_space<semaphore_mem>>) src(%dma_wait3A_28 : memref<5000xi32, #tpu.memory_space<hbm>>) dst(%dma_wait3A_27 : memref<5000xi32, #tpu.memory_space<vmem>>)
    %scan3A = arith.constant 0 : i32
    %scan3A_29 = arith.constant 0 : i32
    %scan3A_30 = arith.constant 24 : i32
    %scan3A_31 = arith.addi %scan3A_29, %scan3A_30 : i32
    %scan3A_32 = arith.constant 1 : i32
    scf.for %scan3A_50 = %scan3A_29 to %scan3A_31 step %scan3A_32  : i32 {
      %mul3A_51 = arith.constant 13 : i32
      %mul3A_52 = arith.muli %scan3A_50, %mul3A_51 : i32
      %add3A_53 = arith.constant 0 : i32
      %add3A_54 = arith.addi %mul3A_52, %add3A_53 : i32
      %mul3A_55 = arith.constant 16 : i32
      %mul3A_56 = arith.muli %add3A_54, %mul3A_55 : i32
      %get3A_57 = arith.index_cast %mul3A_56 : i32 to index
      %get3A_58 = tpu.vector_load %arg7[%get3A_57] {strides = array<i32>} : memref<5008xi32, #tpu.memory_space<vmem>>, vector<16xi32>,
      %sub3A_59 = arith.constant 1 : i32
      %sub3A_60 = vector.broadcast %sub3A_59 : i32 to vector<16xi32>
      %sub3A_61 = arith.subi %get3A_58, %sub3A_60 : vector<16xi32>
      %gather3A_62 = tpu.vector_load_idx %arg10[%sub3A_61] : memref<118xi32, #tpu.memory_space<vmem>>[vector<16xi32>], vector<16xi32>,
      %mul3A_63 = arith.constant 16 : i32
      %mul3A_64 = arith.muli %add3A_54, %mul3A_63 : i32
      %get3A_65 = arith.index_cast %mul3A_64 : i32 to index
      %get3A_66 = tpu.vector_load %arg8[%get3A_65] {strides = array<i32>} : memref<5008xi32, #tpu.memory_space<vmem>>, vector<16xi32>,
      %sub3A_67 = arith.constant 1 : i32
      %sub3A_68 = vector.broadcast %sub3A_67 : i32 to vector<16xi32>
      %sub3A_69 = arith.subi %get3A_66, %sub3A_68 : vector<16xi32>
      %gather3A_70 = tpu.vector_load_idx %arg10[%sub3A_69] : memref<118xi32, #tpu.memory_space<vmem>>[vector<16xi32>], vector<16xi32>,
      %mul3A_71 = arith.constant 17 : i32
      %mul3A_72 = vector.broadcast %mul3A_71 : i32 to vector<16xi32>
      %mul3A_73 = arith.muli %gather3A_62, %mul3A_72 : vector<16xi32>
      %add3A_74 = arith.addi %mul3A_73, %gather3A_70 : vector<16xi32>
      %gather3A_75 = tpu.vector_load_idx %arg11[%add3A_74] : memref<289xi32, #tpu.memory_space<vmem>>[vector<16xi32>], vector<16xi32>,
      %mul3A_76 = arith.constant 16 : i32
      %mul3A_77 = arith.muli %add3A_54, %mul3A_76 : i32
      %swap3A_78 = arith.index_cast %mul3A_77 : i32 to index
      %swap3A_79 = tpu.vector_load %arg9[%swap3A_78] {strides = array<i32>} : memref<5008xi32, #tpu.memory_space<vmem>>, vector<16xi32>,
      tpu.vector_store %arg9[%swap3A_78], %gather3A_75 {strides = array<i32>} : memref<5008xi32, #tpu.memory_space<vmem>>, vector<16xi32>,
      %mul3A_80 = arith.constant 13 : i32
      %mul3A_81 = arith.muli %scan3A_50, %mul3A_80 : i32
      %add3A_82 = arith.constant 1 : i32
      %add3A_83 = arith.addi %mul3A_81, %add3A_82 : i32
      %mul3A_84 = arith.constant 16 : i32
      %mul3A_85 = arith.muli %add3A_83, %mul3A_84 : i32
      %get3A_86 = arith.index_cast %mul3A_85 : i32 to index
      %get3A_87 = tpu.vector_load %arg7[%get3A_86] {strides = array<i32>} : memref<5008xi32, #tpu.memory_space<vmem>>, vector<16xi32>,
      %sub3A_88 = arith.constant 1 : i32
      %sub3A_89 = vector.broadcast %sub3A_88 : i32 to vector<16xi32>
      %sub3A_90 = arith.subi %get3A_87, %sub3A_89 : vector<16xi32>
      %gather3A_91 = tpu.vector_load_idx %arg10[%sub3A_90] : memref<118xi32, #tpu.memory_space<vmem>>[vector<16xi32>], vector<16xi32>,
      %mul3A_92 = arith.constant 16 : i32
      %mul3A_93 = arith.muli %add3A_83, %mul3A_92 : i32
      %get3A_94 = arith.index_cast %mul3A_93 : i32 to index
      %get3A_95 = tpu.vector_load %arg8[%get3A_94] {strides = array<i32>} : memref<5008xi32, #tpu.memory_space<vmem>>, vector<16xi32>,
      %sub3A_96 = arith.constant 1 : i32
      %sub3A_97 = vector.broadcast %sub3A_96 : i32 to vector<16xi32>
      %sub3A_98 = arith.subi %get3A_95, %sub3A_97 : vector<16xi32>
      %gather3A_99 = tpu.vector_load_idx %arg10[%sub3A_98] : memref<118xi32, #tpu.memory_space<vmem>>[vector<16xi32>], vector<16xi32>,
      %mul3A_100 = arith.constant 17 : i32
      %mul3A_101 = vector.broadcast %mul3A_100 : i32 to vector<16xi32>
      %mul3A_102 = arith.muli %gather3A_91, %mul3A_101 : vector<16xi32>
      %add3A_103 = arith.addi %mul3A_102, %gather3A_99 : vector<16xi32>
      %gather3A_104 = tpu.vector_load_idx %arg11[%add3A_103] : memref<289xi32, #tpu.memory_space<vmem>>[vector<16xi32>], vector<16xi32>,
      %mul3A_105 = arith.constant 16 : i32
      %mul3A_106 = arith.muli %add3A_83, %mul3A_105 : i32
      %swap3A_107 = arith.index_cast %mul3A_106 : i32 to index
      %swap3A_108 = tpu.vector_load %arg9[%swap3A_107] {strides = array<i32>} : memref<5008xi32, #tpu.memory_space<vmem>>, vector<16xi32>,
      tpu.vector_store %arg9[%swap3A_107], %gather3A_104 {strides = array<i32>} : memref<5008xi32, #tpu.memory_space<vmem>>, vector<16xi32>,
      %mul3A_109 = arith.constant 13 : i32
      %mul3A_110 = arith.muli %scan3A_50, %mul3A_109 : i32
      %add3A_111 = arith.constant 2 : i32
      %add3A_112 = arith.addi %mul3A_110, %add3A_111 : i32
      %mul3A_113 = arith.constant 16 : i32
      %mul3A_114 = arith.muli %add3A_112, %mul3A_113 : i32
      %get3A_115 = arith.index_cast %mul3A_114 : i32 to index
      %get3A_116 = tpu.vector_load %arg7[%get3A_115] {strides = array<i32>} : memref<5008xi32, #tpu.memory_space<vmem>>, vector<16xi32>,
      %sub3A_117 = arith.constant 1 : i32
      %sub3A_118 = vector.broadcast %sub3A_117 : i32 to vector<16xi32>
      %sub3A_119 = arith.subi %get3A_116, %sub3A_118 : vector<16xi32>
      %gather3A_120 = tpu.vector_load_idx %arg10[%sub3A_119] : memref<118xi32, #tpu.memory_space<vmem>>[vector<16xi32>], vector<16xi32>,
      %mul3A_121 = arith.constant 16 : i32
      %mul3A_122 = arith.muli %add3A_112, %mul3A_121 : i32
      %get3A_123 = arith.index_cast %mul3A_122 : i32 to index
      %get3A_124 = tpu.vector_load %arg8[%get3A_123] {strides = array<i32>} : memref<5008xi32, #tpu.memory_space<vmem>>, vector<16xi32>,
      %sub3A_125 = arith.constant 1 : i32
      %sub3A_126 = vector.broadcast %sub3A_125 : i32 to vector<16xi32>
      %sub3A_127 = arith.subi %get3A_124, %sub3A_126 : vector<16xi32>
      %gather3A_128 = tpu.vector_load_idx %arg10[%sub3A_127] : memref<118xi32, #tpu.memory_space<vmem>>[vector<16xi32>], vector<16xi32>,
      %mul3A_129 = arith.constant 17 : i32
      %mul3A_130 = vector.broadcast %mul3A_129 : i32 to vector<16xi32>
      %mul3A_131 = arith.muli %gather3A_120, %mul3A_130 : vector<16xi32>
      %add3A_132 = arith.addi %mul3A_131, %gather3A_128 : vector<16xi32>
      %gather3A_133 = tpu.vector_load_idx %arg11[%add3A_132] : memref<289xi32, #tpu.memory_space<vmem>>[vector<16xi32>], vector<16xi32>,
      %mul3A_134 = arith.constant 16 : i32
      %mul3A_135 = arith.muli %add3A_112, %mul3A_134 : i32
      %swap3A_136 = arith.index_cast %mul3A_135 : i32 to index
      %swap3A_137 = tpu.vector_load %arg9[%swap3A_136] {strides = array<i32>} : memref<5008xi32, #tpu.memory_space<vmem>>, vector<16xi32>,
      tpu.vector_store %arg9[%swap3A_136], %gather3A_133 {strides = array<i32>} : memref<5008xi32, #tpu.memory_space<vmem>>, vector<16xi32>,
      %mul3A_138 = arith.constant 13 : i32
      %mul3A_139 = arith.muli %scan3A_50, %mul3A_138 : i32
      %add3A_140 = arith.constant 3 : i32
      %add3A_141 = arith.addi %mul3A_139, %add3A_140 : i32
      %mul3A_142 = arith.constant 16 : i32
      %mul3A_143 = arith.muli %add3A_141, %mul3A_142 : i32
      %get3A_144 = arith.index_cast %mul3A_143 : i32 to index
      %get3A_145 = tpu.vector_load %arg7[%get3A_144] {strides = array<i32>} : memref<5008xi32, #tpu.memory_space<vmem>>, vector<16xi32>,
      %sub3A_146 = arith.constant 1 : i32
      %sub3A_147 = vector.broadcast %sub3A_146 : i32 to vector<16xi32>
      %sub3A_148 = arith.subi %get3A_145, %sub3A_147 : vector<16xi32>
      %gather3A_149 = tpu.vector_load_idx %arg10[%sub3A_148] : memref<118xi32, #tpu.memory_space<vmem>>[vector<16xi32>], vector<16xi32>,
      %mul3A_150 = arith.constant 16 : i32
      %mul3A_151 = arith.muli %add3A_141, %mul3A_150 : i32
      %get3A_152 = arith.index_cast %mul3A_151 : i32 to index
      %get3A_153 = tpu.vector_load %arg8[%get3A_152] {strides = array<i32>} : memref<5008xi32, #tpu.memory_space<vmem>>, vector<16xi32>,
      %sub3A_154 = arith.constant 1 : i32
      %sub3A_155 = vector.broadcast %sub3A_154 : i32 to vector<16xi32>
      %sub3A_156 = arith.subi %get3A_153, %sub3A_155 : vector<16xi32>
      %gather3A_157 = tpu.vector_load_idx %arg10[%sub3A_156] : memref<118xi32, #tpu.memory_space<vmem>>[vector<16xi32>], vector<16xi32>,
      %mul3A_158 = arith.constant 17 : i32
      %mul3A_159 = vector.broadcast %mul3A_158 : i32 to vector<16xi32>
      %mul3A_160 = arith.muli %gather3A_149, %mul3A_159 : vector<16xi32>
      %add3A_161 = arith.addi %mul3A_160, %gather3A_157 : vector<16xi32>
      %gather3A_162 = tpu.vector_load_idx %arg11[%add3A_161] : memref<289xi32, #tpu.memory_space<vmem>>[vector<16xi32>], vector<16xi32>,
      %mul3A_163 = arith.constant 16 : i32
      %mul3A_164 = arith.muli %add3A_141, %mul3A_163 : i32
      %swap3A_165 = arith.index_cast %mul3A_164 : i32 to index
      %swap3A_166 = tpu.vector_load %arg9[%swap3A_165] {strides = array<i32>} : memref<5008xi32, #tpu.memory_space<vmem>>, vector<16xi32>,
      tpu.vector_store %arg9[%swap3A_165], %gather3A_162 {strides = array<i32>} : memref<5008xi32, #tpu.memory_space<vmem>>, vector<16xi32>,
      %mul3A_167 = arith.constant 13 : i32
      %mul3A_168 = arith.muli %scan3A_50, %mul3A_167 : i32
      %add3A_169 = arith.constant 4 : i32
      %add3A_170 = arith.addi %mul3A_168, %add3A_169 : i32
      %mul3A_171 = arith.constant 16 : i32
      %mul3A_172 = arith.muli %add3A_170, %mul3A_171 : i32
      %get3A_173 = arith.index_cast %mul3A_172 : i32 to index
      %get3A_174 = tpu.vector_load %arg7[%get3A_173] {strides = array<i32>} : memref<5008xi32, #tpu.memory_space<vmem>>, vector<16xi32>,
      %sub3A_175 = arith.constant 1 : i32
      %sub3A_176 = vector.broadcast %sub3A_175 : i32 to vector<16xi32>
      %sub3A_177 = arith.subi %get3A_174, %sub3A_176 : vector<16xi32>
      %gather3A_178 = tpu.vector_load_idx %arg10[%sub3A_177] : memref<118xi32, #tpu.memory_space<vmem>>[vector<16xi32>], vector<16xi32>,
      %mul3A_179 = arith.constant 16 : i32
      %mul3A_180 = arith.muli %add3A_170, %mul3A_179 : i32
      %get3A_181 = arith.index_cast %mul3A_180 : i32 to index
      %get3A_182 = tpu.vector_load %arg8[%get3A_181] {strides = array<i32>} : memref<5008xi32, #tpu.memory_space<vmem>>, vector<16xi32>,
      %sub3A_183 = arith.constant 1 : i32
      %sub3A_184 = vector.broadcast %sub3A_183 : i32 to vector<16xi32>
      %sub3A_185 = arith.subi %get3A_182, %sub3A_184 : vector<16xi32>
      %gather3A_186 = tpu.vector_load_idx %arg10[%sub3A_185] : memref<118xi32, #tpu.memory_space<vmem>>[vector<16xi32>], vector<16xi32>,
      %mul3A_187 = arith.constant 17 : i32
      %mul3A_188 = vector.broadcast %mul3A_187 : i32 to vector<16xi32>
      %mul3A_189 = arith.muli %gather3A_178, %mul3A_188 : vector<16xi32>
      %add3A_190 = arith.addi %mul3A_189, %gather3A_186 : vector<16xi32>
      %gather3A_191 = tpu.vector_load_idx %arg11[%add3A_190] : memref<289xi32, #tpu.memory_space<vmem>>[vector<16xi32>], vector<16xi32>,
      %mul3A_192 = arith.constant 16 : i32
      %mul3A_193 = arith.muli %add3A_170, %mul3A_192 : i32
      %swap3A_194 = arith.index_cast %mul3A_193 : i32 to index
      %swap3A_195 = tpu.vector_load %arg9[%swap3A_194] {strides = array<i32>} : memref<5008xi32, #tpu.memory_space<vmem>>, vector<16xi32>,
      tpu.vector_store %arg9[%swap3A_194], %gather3A_191 {strides = array<i32>} : memref<5008xi32, #tpu.memory_space<vmem>>, vector<16xi32>,
      %mul3A_196 = arith.constant 13 : i32
      %mul3A_197 = arith.muli %scan3A_50, %mul3A_196 : i32
      %add3A_198 = arith.constant 5 : i32
      %add3A_199 = arith.addi %mul3A_197, %add3A_198 : i32
      %mul3A_200 = arith.constant 16 : i32
      %mul3A_201 = arith.muli %add3A_199, %mul3A_200 : i32
      %get3A_202 = arith.index_cast %mul3A_201 : i32 to index
      %get3A_203 = tpu.vector_load %arg7[%get3A_202] {strides = array<i32>} : memref<5008xi32, #tpu.memory_space<vmem>>, vector<16xi32>,
      %sub3A_204 = arith.constant 1 : i32
      %sub3A_205 = vector.broadcast %sub3A_204 : i32 to vector<16xi32>
      %sub3A_206 = arith.subi %get3A_203, %sub3A_205 : vector<16xi32>
      %gather3A_207 = tpu.vector_load_idx %arg10[%sub3A_206] : memref<118xi32, #tpu.memory_space<vmem>>[vector<16xi32>], vector<16xi32>,
      %mul3A_208 = arith.constant 16 : i32
      %mul3A_209 = arith.muli %add3A_199, %mul3A_208 : i32
      %get3A_210 = arith.index_cast %mul3A_209 : i32 to index
      %get3A_211 = tpu.vector_load %arg8[%get3A_210] {strides = array<i32>} : memref<5008xi32, #tpu.memory_space<vmem>>, vector<16xi32>,
      %sub3A_212 = arith.constant 1 : i32
      %sub3A_213 = vector.broadcast %sub3A_212 : i32 to vector<16xi32>
      %sub3A_214 = arith.subi %get3A_211, %sub3A_213 : vector<16xi32>
      %gather3A_215 = tpu.vector_load_idx %arg10[%sub3A_214] : memref<118xi32, #tpu.memory_space<vmem>>[vector<16xi32>], vector<16xi32>,
      %mul3A_216 = arith.constant 17 : i32
      %mul3A_217 = vector.broadcast %mul3A_216 : i32 to vector<16xi32>
      %mul3A_218 = arith.muli %gather3A_207, %mul3A_217 : vector<16xi32>
      %add3A_219 = arith.addi %mul3A_218, %gather3A_215 : vector<16xi32>
      %gather3A_220 = tpu.vector_load_idx %arg11[%add3A_219] : memref<289xi32, #tpu.memory_space<vmem>>[vector<16xi32>], vector<16xi32>,
      %mul3A_221 = arith.constant 16 : i32
      %mul3A_222 = arith.muli %add3A_199, %mul3A_221 : i32
      %swap3A_223 = arith.index_cast %mul3A_222 : i32 to index
      %swap3A_224 = tpu.vector_load %arg9[%swap3A_223] {strides = array<i32>} : memref<5008xi32, #tpu.memory_space<vmem>>, vector<16xi32>,
      tpu.vector_store %arg9[%swap3A_223], %gather3A_220 {strides = array<i32>} : memref<5008xi32, #tpu.memory_space<vmem>>, vector<16xi32>,
      %mul3A_225 = arith.constant 13 : i32
      %mul3A_226 = arith.muli %scan3A_50, %mul3A_225 : i32
      %add3A_227 = arith.constant 6 : i32
      %add3A_228 = arith.addi %mul3A_226, %add3A_227 : i32
      %mul3A_229 = arith.constant 16 : i32
      %mul3A_230 = arith.muli %add3A_228, %mul3A_229 : i32
      %get3A_231 = arith.index_cast %mul3A_230 : i32 to index
      %get3A_232 = tpu.vector_load %arg7[%get3A_231] {strides = array<i32>} : memref<5008xi32, #tpu.memory_space<vmem>>, vector<16xi32>,
      %sub3A_233 = arith.constant 1 : i32
      %sub3A_234 = vector.broadcast %sub3A_233 : i32 to vector<16xi32>
      %sub3A_235 = arith.subi %get3A_232, %sub3A_234 : vector<16xi32>
      %gather3A_236 = tpu.vector_load_idx %arg10[%sub3A_235] : memref<118xi32, #tpu.memory_space<vmem>>[vector<16xi32>], vector<16xi32>,
      %mul3A_237 = arith.constant 16 : i32
      %mul3A_238 = arith.muli %add3A_228, %mul3A_237 : i32
      %get3A_239 = arith.index_cast %mul3A_238 : i32 to index
      %get3A_240 = tpu.vector_load %arg8[%get3A_239] {strides = array<i32>} : memref<5008xi32, #tpu.memory_space<vmem>>, vector<16xi32>,
      %sub3A_241 = arith.constant 1 : i32
      %sub3A_242 = vector.broadcast %sub3A_241 : i32 to vector<16xi32>
      %sub3A_243 = arith.subi %get3A_240, %sub3A_242 : vector<16xi32>
      %gather3A_244 = tpu.vector_load_idx %arg10[%sub3A_243] : memref<118xi32, #tpu.memory_space<vmem>>[vector<16xi32>], vector<16xi32>,
      %mul3A_245 = arith.constant 17 : i32
      %mul3A_246 = vector.broadcast %mul3A_245 : i32 to vector<16xi32>
      %mul3A_247 = arith.muli %gather3A_236, %mul3A_246 : vector<16xi32>
      %add3A_248 = arith.addi %mul3A_247, %gather3A_244 : vector<16xi32>
      %gather3A_249 = tpu.vector_load_idx %arg11[%add3A_248] : memref<289xi32, #tpu.memory_space<vmem>>[vector<16xi32>], vector<16xi32>,
      %mul3A_250 = arith.constant 16 : i32
      %mul3A_251 = arith.muli %add3A_228, %mul3A_250 : i32
      %swap3A_252 = arith.index_cast %mul3A_251 : i32 to index
      %swap3A_253 = tpu.vector_load %arg9[%swap3A_252] {strides = array<i32>} : memref<5008xi32, #tpu.memory_space<vmem>>, vector<16xi32>,
      tpu.vector_store %arg9[%swap3A_252], %gather3A_249 {strides = array<i32>} : memref<5008xi32, #tpu.memory_space<vmem>>, vector<16xi32>,
      %mul3A_254 = arith.constant 13 : i32
      %mul3A_255 = arith.muli %scan3A_50, %mul3A_254 : i32
      %add3A_256 = arith.constant 7 : i32
      %add3A_257 = arith.addi %mul3A_255, %add3A_256 : i32
      %mul3A_258 = arith.constant 16 : i32
      %mul3A_259 = arith.muli %add3A_257, %mul3A_258 : i32
      %get3A_260 = arith.index_cast %mul3A_259 : i32 to index
      %get3A_261 = tpu.vector_load %arg7[%get3A_260] {strides = array<i32>} : memref<5008xi32, #tpu.memory_space<vmem>>, vector<16xi32>,
      %sub3A_262 = arith.constant 1 : i32
      %sub3A_263 = vector.broadcast %sub3A_262 : i32 to vector<16xi32>
      %sub3A_264 = arith.subi %get3A_261, %sub3A_263 : vector<16xi32>
      %gather3A_265 = tpu.vector_load_idx %arg10[%sub3A_264] : memref<118xi32, #tpu.memory_space<vmem>>[vector<16xi32>], vector<16xi32>,
      %mul3A_266 = arith.constant 16 : i32
      %mul3A_267 = arith.muli %add3A_257, %mul3A_266 : i32
      %get3A_268 = arith.index_cast %mul3A_267 : i32 to index
      %get3A_269 = tpu.vector_load %arg8[%get3A_268] {strides = array<i32>} : memref<5008xi32, #tpu.memory_space<vmem>>, vector<16xi32>,
      %sub3A_270 = arith.constant 1 : i32
      %sub3A_271 = vector.broadcast %sub3A_270 : i32 to vector<16xi32>
      %sub3A_272 = arith.subi %get3A_269, %sub3A_271 : vector<16xi32>
      %gather3A_273 = tpu.vector_load_idx %arg10[%sub3A_272] : memref<118xi32, #tpu.memory_space<vmem>>[vector<16xi32>], vector<16xi32>,
      %mul3A_274 = arith.constant 17 : i32
      %mul3A_275 = vector.broadcast %mul3A_274 : i32 to vector<16xi32>
      %mul3A_276 = arith.muli %gather3A_265, %mul3A_275 : vector<16xi32>
      %add3A_277 = arith.addi %mul3A_276, %gather3A_273 : vector<16xi32>
      %gather3A_278 = tpu.vector_load_idx %arg11[%add3A_277] : memref<289xi32, #tpu.memory_space<vmem>>[vector<16xi32>], vector<16xi32>,
      %mul3A_279 = arith.constant 16 : i32
      %mul3A_280 = arith.muli %add3A_257, %mul3A_279 : i32
      %swap3A_281 = arith.index_cast %mul3A_280 : i32 to index
      %swap3A_282 = tpu.vector_load %arg9[%swap3A_281] {strides = array<i32>} : memref<5008xi32, #tpu.memory_space<vmem>>, vector<16xi32>,
      tpu.vector_store %arg9[%swap3A_281], %gather3A_278 {strides = array<i32>} : memref<5008xi32, #tpu.memory_space<vmem>>, vector<16xi32>,
      %mul3A_283 = arith.constant 13 : i32
      %mul3A_284 = arith.muli %scan3A_50, %mul3A_283 : i32
      %add3A_285 = arith.constant 8 : i32
      %add3A_286 = arith.addi %mul3A_284, %add3A_285 : i32
      %mul3A_287 = arith.constant 16 : i32
      %mul3A_288 = arith.muli %add3A_286, %mul3A_287 : i32
      %get3A_289 = arith.index_cast %mul3A_288 : i32 to index
      %get3A_290 = tpu.vector_load %arg7[%get3A_289] {strides = array<i32>} : memref<5008xi32, #tpu.memory_space<vmem>>, vector<16xi32>,
      %sub3A_291 = arith.constant 1 : i32
      %sub3A_292 = vector.broadcast %sub3A_291 : i32 to vector<16xi32>
      %sub3A_293 = arith.subi %get3A_290, %sub3A_292 : vector<16xi32>
      %gather3A_294 = tpu.vector_load_idx %arg10[%sub3A_293] : memref<118xi32, #tpu.memory_space<vmem>>[vector<16xi32>], vector<16xi32>,
      %mul3A_295 = arith.constant 16 : i32
      %mul3A_296 = arith.muli %add3A_286, %mul3A_295 : i32
      %get3A_297 = arith.index_cast %mul3A_296 : i32 to index
      %get3A_298 = tpu.vector_load %arg8[%get3A_297] {strides = array<i32>} : memref<5008xi32, #tpu.memory_space<vmem>>, vector<16xi32>,
      %sub3A_299 = arith.constant 1 : i32
      %sub3A_300 = vector.broadcast %sub3A_299 : i32 to vector<16xi32>
      %sub3A_301 = arith.subi %get3A_298, %sub3A_300 : vector<16xi32>
      %gather3A_302 = tpu.vector_load_idx %arg10[%sub3A_301] : memref<118xi32, #tpu.memory_space<vmem>>[vector<16xi32>], vector<16xi32>,
      %mul3A_303 = arith.constant 17 : i32
      %mul3A_304 = vector.broadcast %mul3A_303 : i32 to vector<16xi32>
      %mul3A_305 = arith.muli %gather3A_294, %mul3A_304 : vector<16xi32>
      %add3A_306 = arith.addi %mul3A_305, %gather3A_302 : vector<16xi32>
      %gather3A_307 = tpu.vector_load_idx %arg11[%add3A_306] : memref<289xi32, #tpu.memory_space<vmem>>[vector<16xi32>], vector<16xi32>,
      %mul3A_308 = arith.constant 16 : i32
      %mul3A_309 = arith.muli %add3A_286, %mul3A_308 : i32
      %swap3A_310 = arith.index_cast %mul3A_309 : i32 to index
      %swap3A_311 = tpu.vector_load %arg9[%swap3A_310] {strides = array<i32>} : memref<5008xi32, #tpu.memory_space<vmem>>, vector<16xi32>,
      tpu.vector_store %arg9[%swap3A_310], %gather3A_307 {strides = array<i32>} : memref<5008xi32, #tpu.memory_space<vmem>>, vector<16xi32>,
      %mul3A_312 = arith.constant 13 : i32
      %mul3A_313 = arith.muli %scan3A_50, %mul3A_312 : i32
      %add3A_314 = arith.constant 9 : i32
      %add3A_315 = arith.addi %mul3A_313, %add3A_314 : i32
      %mul3A_316 = arith.constant 16 : i32
      %mul3A_317 = arith.muli %add3A_315, %mul3A_316 : i32
      %get3A_318 = arith.index_cast %mul3A_317 : i32 to index
      %get3A_319 = tpu.vector_load %arg7[%get3A_318] {strides = array<i32>} : memref<5008xi32, #tpu.memory_space<vmem>>, vector<16xi32>,
      %sub3A_320 = arith.constant 1 : i32
      %sub3A_321 = vector.broadcast %sub3A_320 : i32 to vector<16xi32>
      %sub3A_322 = arith.subi %get3A_319, %sub3A_321 : vector<16xi32>
      %gather3A_323 = tpu.vector_load_idx %arg10[%sub3A_322] : memref<118xi32, #tpu.memory_space<vmem>>[vector<16xi32>], vector<16xi32>,
      %mul3A_324 = arith.constant 16 : i32
      %mul3A_325 = arith.muli %add3A_315, %mul3A_324 : i32
      %get3A_326 = arith.index_cast %mul3A_325 : i32 to index
      %get3A_327 = tpu.vector_load %arg8[%get3A_326] {strides = array<i32>} : memref<5008xi32, #tpu.memory_space<vmem>>, vector<16xi32>,
      %sub3A_328 = arith.constant 1 : i32
      %sub3A_329 = vector.broadcast %sub3A_328 : i32 to vector<16xi32>
      %sub3A_330 = arith.subi %get3A_327, %sub3A_329 : vector<16xi32>
      %gather3A_331 = tpu.vector_load_idx %arg10[%sub3A_330] : memref<118xi32, #tpu.memory_space<vmem>>[vector<16xi32>], vector<16xi32>,
      %mul3A_332 = arith.constant 17 : i32
      %mul3A_333 = vector.broadcast %mul3A_332 : i32 to vector<16xi32>
      %mul3A_334 = arith.muli %gather3A_323, %mul3A_333 : vector<16xi32>
      %add3A_335 = arith.addi %mul3A_334, %gather3A_331 : vector<16xi32>
      %gather3A_336 = tpu.vector_load_idx %arg11[%add3A_335] : memref<289xi32, #tpu.memory_space<vmem>>[vector<16xi32>], vector<16xi32>,
      %mul3A_337 = arith.constant 16 : i32
      %mul3A_338 = arith.muli %add3A_315, %mul3A_337 : i32
      %swap3A_339 = arith.index_cast %mul3A_338 : i32 to index
      %swap3A_340 = tpu.vector_load %arg9[%swap3A_339] {strides = array<i32>} : memref<5008xi32, #tpu.memory_space<vmem>>, vector<16xi32>,
      tpu.vector_store %arg9[%swap3A_339], %gather3A_336 {strides = array<i32>} : memref<5008xi32, #tpu.memory_space<vmem>>, vector<16xi32>,
      %mul3A_341 = arith.constant 13 : i32
      %mul3A_342 = arith.muli %scan3A_50, %mul3A_341 : i32
      %add3A_343 = arith.constant 10 : i32
      %add3A_344 = arith.addi %mul3A_342, %add3A_343 : i32
      %mul3A_345 = arith.constant 16 : i32
      %mul3A_346 = arith.muli %add3A_344, %mul3A_345 : i32
      %get3A_347 = arith.index_cast %mul3A_346 : i32 to index
      %get3A_348 = tpu.vector_load %arg7[%get3A_347] {strides = array<i32>} : memref<5008xi32, #tpu.memory_space<vmem>>, vector<16xi32>,
      %sub3A_349 = arith.constant 1 : i32
      %sub3A_350 = vector.broadcast %sub3A_349 : i32 to vector<16xi32>
      %sub3A_351 = arith.subi %get3A_348, %sub3A_350 : vector<16xi32>
      %gather3A_352 = tpu.vector_load_idx %arg10[%sub3A_351] : memref<118xi32, #tpu.memory_space<vmem>>[vector<16xi32>], vector<16xi32>,
      %mul3A_353 = arith.constant 16 : i32
      %mul3A_354 = arith.muli %add3A_344, %mul3A_353 : i32
      %get3A_355 = arith.index_cast %mul3A_354 : i32 to index
      %get3A_356 = tpu.vector_load %arg8[%get3A_355] {strides = array<i32>} : memref<5008xi32, #tpu.memory_space<vmem>>, vector<16xi32>,
      %sub3A_357 = arith.constant 1 : i32
      %sub3A_358 = vector.broadcast %sub3A_357 : i32 to vector<16xi32>
      %sub3A_359 = arith.subi %get3A_356, %sub3A_358 : vector<16xi32>
      %gather3A_360 = tpu.vector_load_idx %arg10[%sub3A_359] : memref<118xi32, #tpu.memory_space<vmem>>[vector<16xi32>], vector<16xi32>,
      %mul3A_361 = arith.constant 17 : i32
      %mul3A_362 = vector.broadcast %mul3A_361 : i32 to vector<16xi32>
      %mul3A_363 = arith.muli %gather3A_352, %mul3A_362 : vector<16xi32>
      %add3A_364 = arith.addi %mul3A_363, %gather3A_360 : vector<16xi32>
      %gather3A_365 = tpu.vector_load_idx %arg11[%add3A_364] : memref<289xi32, #tpu.memory_space<vmem>>[vector<16xi32>], vector<16xi32>,
      %mul3A_366 = arith.constant 16 : i32
      %mul3A_367 = arith.muli %add3A_344, %mul3A_366 : i32
      %swap3A_368 = arith.index_cast %mul3A_367 : i32 to index
      %swap3A_369 = tpu.vector_load %arg9[%swap3A_368] {strides = array<i32>} : memref<5008xi32, #tpu.memory_space<vmem>>, vector<16xi32>,
      tpu.vector_store %arg9[%swap3A_368], %gather3A_365 {strides = array<i32>} : memref<5008xi32, #tpu.memory_space<vmem>>, vector<16xi32>,
      %mul3A_370 = arith.constant 13 : i32
      %mul3A_371 = arith.muli %scan3A_50, %mul3A_370 : i32
      %add3A_372 = arith.constant 11 : i32
      %add3A_373 = arith.addi %mul3A_371, %add3A_372 : i32
      %mul3A_374 = arith.constant 16 : i32
      %mul3A_375 = arith.muli %add3A_373, %mul3A_374 : i32
      %get3A_376 = arith.index_cast %mul3A_375 : i32 to index
      %get3A_377 = tpu.vector_load %arg7[%get3A_376] {strides = array<i32>} : memref<5008xi32, #tpu.memory_space<vmem>>, vector<16xi32>,
      %sub3A_378 = arith.constant 1 : i32
      %sub3A_379 = vector.broadcast %sub3A_378 : i32 to vector<16xi32>
      %sub3A_380 = arith.subi %get3A_377, %sub3A_379 : vector<16xi32>
      %gather3A_381 = tpu.vector_load_idx %arg10[%sub3A_380] : memref<118xi32, #tpu.memory_space<vmem>>[vector<16xi32>], vector<16xi32>,
      %mul3A_382 = arith.constant 16 : i32
      %mul3A_383 = arith.muli %add3A_373, %mul3A_382 : i32
      %get3A_384 = arith.index_cast %mul3A_383 : i32 to index
      %get3A_385 = tpu.vector_load %arg8[%get3A_384] {strides = array<i32>} : memref<5008xi32, #tpu.memory_space<vmem>>, vector<16xi32>,
      %sub3A_386 = arith.constant 1 : i32
      %sub3A_387 = vector.broadcast %sub3A_386 : i32 to vector<16xi32>
      %sub3A_388 = arith.subi %get3A_385, %sub3A_387 : vector<16xi32>
      %gather3A_389 = tpu.vector_load_idx %arg10[%sub3A_388] : memref<118xi32, #tpu.memory_space<vmem>>[vector<16xi32>], vector<16xi32>,
      %mul3A_390 = arith.constant 17 : i32
      %mul3A_391 = vector.broadcast %mul3A_390 : i32 to vector<16xi32>
      %mul3A_392 = arith.muli %gather3A_381, %mul3A_391 : vector<16xi32>
      %add3A_393 = arith.addi %mul3A_392, %gather3A_389 : vector<16xi32>
      %gather3A_394 = tpu.vector_load_idx %arg11[%add3A_393] : memref<289xi32, #tpu.memory_space<vmem>>[vector<16xi32>], vector<16xi32>,
      %mul3A_395 = arith.constant 16 : i32
      %mul3A_396 = arith.muli %add3A_373, %mul3A_395 : i32
      %swap3A_397 = arith.index_cast %mul3A_396 : i32 to index
      %swap3A_398 = tpu.vector_load %arg9[%swap3A_397] {strides = array<i32>} : memref<5008xi32, #tpu.memory_space<vmem>>, vector<16xi32>,
      tpu.vector_store %arg9[%swap3A_397], %gather3A_394 {strides = array<i32>} : memref<5008xi32, #tpu.memory_space<vmem>>, vector<16xi32>,
      %mul3A_399 = arith.constant 13 : i32
      %mul3A_400 = arith.muli %scan3A_50, %mul3A_399 : i32
      %add3A_401 = arith.constant 12 : i32
      %add3A_402 = arith.addi %mul3A_400, %add3A_401 : i32
      %mul3A_403 = arith.constant 16 : i32
      %mul3A_404 = arith.muli %add3A_402, %mul3A_403 : i32
      %get3A_405 = arith.index_cast %mul3A_404 : i32 to index
      %get3A_406 = tpu.vector_load %arg7[%get3A_405] {strides = array<i32>} : memref<5008xi32, #tpu.memory_space<vmem>>, vector<16xi32>,
      %sub3A_407 = arith.constant 1 : i32
      %sub3A_408 = vector.broadcast %sub3A_407 : i32 to vector<16xi32>
      %sub3A_409 = arith.subi %get3A_406, %sub3A_408 : vector<16xi32>
      %gather3A_410 = tpu.vector_load_idx %arg10[%sub3A_409] : memref<118xi32, #tpu.memory_space<vmem>>[vector<16xi32>], vector<16xi32>,
      %mul3A_411 = arith.constant 16 : i32
      %mul3A_412 = arith.muli %add3A_402, %mul3A_411 : i32
      %get3A_413 = arith.index_cast %mul3A_412 : i32 to index
      %get3A_414 = tpu.vector_load %arg8[%get3A_413] {strides = array<i32>} : memref<5008xi32, #tpu.memory_space<vmem>>, vector<16xi32>,
      %sub3A_415 = arith.constant 1 : i32
      %sub3A_416 = vector.broadcast %sub3A_415 : i32 to vector<16xi32>
      %sub3A_417 = arith.subi %get3A_414, %sub3A_416 : vector<16xi32>
      %gather3A_418 = tpu.vector_load_idx %arg10[%sub3A_417] : memref<118xi32, #tpu.memory_space<vmem>>[vector<16xi32>], vector<16xi32>,
      %mul3A_419 = arith.constant 17 : i32
      %mul3A_420 = vector.broadcast %mul3A_419 : i32 to vector<16xi32>
      %mul3A_421 = arith.muli %gather3A_410, %mul3A_420 : vector<16xi32>
      %add3A_422 = arith.addi %mul3A_421, %gather3A_418 : vector<16xi32>
      %gather3A_423 = tpu.vector_load_idx %arg11[%add3A_422] : memref<289xi32, #tpu.memory_space<vmem>>[vector<16xi32>], vector<16xi32>,
      %mul3A_424 = arith.constant 16 : i32
      %mul3A_425 = arith.muli %add3A_402, %mul3A_424 : i32
      %swap3A_426 = arith.index_cast %mul3A_425 : i32 to index
      %swap3A_427 = tpu.vector_load %arg9[%swap3A_426] {strides = array<i32>} : memref<5008xi32, #tpu.memory_space<vmem>>, vector<16xi32>,
      tpu.vector_store %arg9[%swap3A_426], %gather3A_423 {strides = array<i32>} : memref<5008xi32, #tpu.memory_space<vmem>>, vector<16xi32>,
    }
    %scan3A_33 = arith.constant 24 : i32
    %get3A = arith.constant 4992 : index
    %get3A_34 = tpu.vector_load %arg7[%get3A] {strides = array<i32>} : memref<5008xi32, #tpu.memory_space<vmem>>, vector<16xi32>,
    %sub3A = arith.constant 1 : i32
    %sub3A_35 = vector.broadcast %sub3A : i32 to vector<16xi32>
    %sub3A_36 = arith.subi %get3A_34, %sub3A_35 : vector<16xi32>
    %gather3A = tpu.vector_load_idx %arg10[%sub3A_36] : memref<118xi32, #tpu.memory_space<vmem>>[vector<16xi32>], vector<16xi32>,
    %get3A_37 = arith.constant 4992 : index
    %get3A_38 = tpu.vector_load %arg8[%get3A_37] {strides = array<i32>} : memref<5008xi32, #tpu.memory_space<vmem>>, vector<16xi32>,
    %sub3A_39 = arith.constant 1 : i32
    %sub3A_40 = vector.broadcast %sub3A_39 : i32 to vector<16xi32>
    %sub3A_41 = arith.subi %get3A_38, %sub3A_40 : vector<16xi32>
    %gather3A_42 = tpu.vector_load_idx %arg10[%sub3A_41] : memref<118xi32, #tpu.memory_space<vmem>>[vector<16xi32>], vector<16xi32>,
    %mul3A_43 = arith.constant 17 : i32
    %mul3A_44 = vector.broadcast %mul3A_43 : i32 to vector<16xi32>
    %mul3A_45 = arith.muli %gather3A, %mul3A_44 : vector<16xi32>
    %add3A_46 = arith.addi %mul3A_45, %gather3A_42 : vector<16xi32>
    %gather3A_47 = tpu.vector_load_idx %arg11[%add3A_46] : memref<289xi32, #tpu.memory_space<vmem>>[vector<16xi32>], vector<16xi32>,
    %swap3A_48 = arith.constant 4992 : index
    %swap3A_49 = tpu.vector_load %arg9[%swap3A_48] {strides = array<i32>} : memref<5008xi32, #tpu.memory_space<vmem>>, vector<16xi32>,
    tpu.vector_store %arg9[%swap3A_48], %gather3A_47 {strides = array<i32>} : memref<5008xi32, #tpu.memory_space<vmem>>, vector<16xi32>,
    "tpu.region"() ({
      %run_scoped3A = tpu.sem_alloc : memref<!tpu.dma_semaphore, #tpu.memory_space<semaphore_mem>>
      %dma_start3A_50 = arith.constant 0 : i32
      %dma_start3A_51 = tpu.memref_slice %arg9[%dma_start3A_50] : memref<5008xi32, #tpu.memory_space<vmem>> -> memref<5000xi32, #tpu.memory_space<vmem>>
      %dma_start3A_52 = tpu.memref_slice %arg6[%mul3A_2] : memref<160000xi32, #tpu.memory_space<hbm>> -> memref<5000xi32, #tpu.memory_space<hbm>>
      %dma_start3A_53 = tpu.memref_slice %arg6[%mul3A_2] : memref<160000xi32, #tpu.memory_space<hbm>> -> memref<5000xi32, #tpu.memory_space<hbm>>
      %dma_start3A_54 = arith.constant 0 : i32
      %dma_start3A_55 = tpu.memref_slice %arg9[%dma_start3A_54] : memref<5008xi32, #tpu.memory_space<vmem>> -> memref<5000xi32, #tpu.memory_space<vmem>>
      tpu.enqueue_dma source(%dma_start3A_55 : memref<5000xi32, #tpu.memory_space<vmem>>) target(%dma_start3A_53 : memref<5000xi32, #tpu.memory_space<hbm>>) target_semaphore(%run_scoped3A : memref<!tpu.dma_semaphore, #tpu.memory_space<semaphore_mem>>)
      %dma_wait3A_56 = arith.constant 0 : i32
      %dma_wait3A_57 = tpu.memref_slice %arg9[%dma_wait3A_56] : memref<5008xi32, #tpu.memory_space<vmem>> -> memref<5000xi32, #tpu.memory_space<vmem>>
      %dma_wait3A_58 = tpu.memref_slice %arg6[%mul3A_2] : memref<160000xi32, #tpu.memory_space<hbm>> -> memref<5000xi32, #tpu.memory_space<hbm>>
      %dma_wait3A_59 = tpu.memref_slice %arg6[%mul3A_2] : memref<160000xi32, #tpu.memory_space<hbm>> -> memref<5000xi32, #tpu.memory_space<hbm>>
      %dma_wait3A_60 = arith.constant 0 : i32
      %dma_wait3A_61 = tpu.memref_slice %arg9[%dma_wait3A_60] : memref<5008xi32, #tpu.memory_space<vmem>> -> memref<5000xi32, #tpu.memory_space<vmem>>
      tpu.wait_dma2 semaphore(%run_scoped3A : memref<!tpu.dma_semaphore, #tpu.memory_space<semaphore_mem>>) src(%dma_wait3A_61 : memref<5000xi32, #tpu.memory_space<vmem>>) dst(%dma_wait3A_59 : memref<5000xi32, #tpu.memory_space<hbm>>)
      tpu.yield
    }) : () -> ()
    return
  }
}

module attributes {stable_mosaic.version = 14 : i64} {
  func.func @body(%arg0: i32, %arg1: memref<64x128xi32, #tpu.memory_space<vmem>>, %arg2: memref<153x8192xf32, #tpu.memory_space<vmem>>) attributes {dimension_semantics = [#tpu.dimension_semantics<arbitrary>], iteration_bounds = array<i64: 20>, scalar_prefetch = 0 : i64, scratch_operands = 0 : i64, tpu.core_type = #tpu.core_type<tc>, window_params = [{transform_indices = @transform_0, window_bounds = array<i64: 64, 128>}, {transform_indices = @transform_1, window_bounds = array<i64: 153, 8192>}]} {
    %iota3A = tpu.iota {dimensions = array<i32: 0>} : vector<153x128xi32>
    %get3A = arith.constant 0 : index
    %get3A_0 = arith.constant 0 : index
    %get3A_1 = vector.load %arg1[%get3A, %get3A_0] : memref<64x128xi32, #tpu.memory_space<vmem>>, vector<1x128xi32>
    %eq3A = vector.broadcast %get3A_1 : vector<1x128xi32> to vector<153x128xi32>
    %eq3A_2 = arith.cmpi eq, %eq3A, %iota3A : vector<153x128xi32>
    %convert_element_type3A = arith.extui %eq3A_2 : vector<153x128xi1> to vector<153x128xi32>
    %convert_element_type3A_3 = arith.sitofp %convert_element_type3A : vector<153x128xi32> to vector<153x128xf32>
    %swap3A = arith.constant 0 : index
    %swap3A_4 = arith.constant 0 : index
    %swap3A_5 = vector.load %arg2[%swap3A, %swap3A_4] : memref<153x8192xf32, #tpu.memory_space<vmem>>, vector<153x128xf32>
    tpu.vector_store %arg2[%swap3A, %swap3A_4], %convert_element_type3A_3 {strides = array<i32>} : memref<153x8192xf32, #tpu.memory_space<vmem>>, vector<153x128xf32>,
    %get3A_6 = arith.constant 1 : index
    %get3A_7 = arith.constant 0 : index
    %get3A_8 = vector.load %arg1[%get3A_6, %get3A_7] : memref<64x128xi32, #tpu.memory_space<vmem>>, vector<1x128xi32>
    %eq3A_9 = vector.broadcast %get3A_8 : vector<1x128xi32> to vector<153x128xi32>
    %eq3A_10 = arith.cmpi eq, %eq3A_9, %iota3A : vector<153x128xi32>
    %convert_element_type3A_11 = arith.extui %eq3A_10 : vector<153x128xi1> to vector<153x128xi32>
    %convert_element_type3A_12 = arith.sitofp %convert_element_type3A_11 : vector<153x128xi32> to vector<153x128xf32>
    %swap3A_13 = arith.constant 0 : index
    %swap3A_14 = arith.constant 128 : index
    %swap3A_15 = vector.load %arg2[%swap3A_13, %swap3A_14] : memref<153x8192xf32, #tpu.memory_space<vmem>>, vector<153x128xf32>
    tpu.vector_store %arg2[%swap3A_13, %swap3A_14], %convert_element_type3A_12 {strides = array<i32>} : memref<153x8192xf32, #tpu.memory_space<vmem>>, vector<153x128xf32>,
    %get3A_16 = arith.constant 2 : index
    %get3A_17 = arith.constant 0 : index
    %get3A_18 = vector.load %arg1[%get3A_16, %get3A_17] : memref<64x128xi32, #tpu.memory_space<vmem>>, vector<1x128xi32>
    %eq3A_19 = vector.broadcast %get3A_18 : vector<1x128xi32> to vector<153x128xi32>
    %eq3A_20 = arith.cmpi eq, %eq3A_19, %iota3A : vector<153x128xi32>
    %convert_element_type3A_21 = arith.extui %eq3A_20 : vector<153x128xi1> to vector<153x128xi32>
    %convert_element_type3A_22 = arith.sitofp %convert_element_type3A_21 : vector<153x128xi32> to vector<153x128xf32>
    %swap3A_23 = arith.constant 0 : index
    %swap3A_24 = arith.constant 256 : index
    %swap3A_25 = vector.load %arg2[%swap3A_23, %swap3A_24] : memref<153x8192xf32, #tpu.memory_space<vmem>>, vector<153x128xf32>
    tpu.vector_store %arg2[%swap3A_23, %swap3A_24], %convert_element_type3A_22 {strides = array<i32>} : memref<153x8192xf32, #tpu.memory_space<vmem>>, vector<153x128xf32>,
    %get3A_26 = arith.constant 3 : index
    %get3A_27 = arith.constant 0 : index
    %get3A_28 = vector.load %arg1[%get3A_26, %get3A_27] : memref<64x128xi32, #tpu.memory_space<vmem>>, vector<1x128xi32>
    %eq3A_29 = vector.broadcast %get3A_28 : vector<1x128xi32> to vector<153x128xi32>
    %eq3A_30 = arith.cmpi eq, %eq3A_29, %iota3A : vector<153x128xi32>
    %convert_element_type3A_31 = arith.extui %eq3A_30 : vector<153x128xi1> to vector<153x128xi32>
    %convert_element_type3A_32 = arith.sitofp %convert_element_type3A_31 : vector<153x128xi32> to vector<153x128xf32>
    %swap3A_33 = arith.constant 0 : index
    %swap3A_34 = arith.constant 384 : index
    %swap3A_35 = vector.load %arg2[%swap3A_33, %swap3A_34] : memref<153x8192xf32, #tpu.memory_space<vmem>>, vector<153x128xf32>
    tpu.vector_store %arg2[%swap3A_33, %swap3A_34], %convert_element_type3A_32 {strides = array<i32>} : memref<153x8192xf32, #tpu.memory_space<vmem>>, vector<153x128xf32>,
    %get3A_36 = arith.constant 4 : index
    %get3A_37 = arith.constant 0 : index
    %get3A_38 = vector.load %arg1[%get3A_36, %get3A_37] : memref<64x128xi32, #tpu.memory_space<vmem>>, vector<1x128xi32>
    %eq3A_39 = vector.broadcast %get3A_38 : vector<1x128xi32> to vector<153x128xi32>
    %eq3A_40 = arith.cmpi eq, %eq3A_39, %iota3A : vector<153x128xi32>
    %convert_element_type3A_41 = arith.extui %eq3A_40 : vector<153x128xi1> to vector<153x128xi32>
    %convert_element_type3A_42 = arith.sitofp %convert_element_type3A_41 : vector<153x128xi32> to vector<153x128xf32>
    %swap3A_43 = arith.constant 0 : index
    %swap3A_44 = arith.constant 512 : index
    %swap3A_45 = vector.load %arg2[%swap3A_43, %swap3A_44] : memref<153x8192xf32, #tpu.memory_space<vmem>>, vector<153x128xf32>
    tpu.vector_store %arg2[%swap3A_43, %swap3A_44], %convert_element_type3A_42 {strides = array<i32>} : memref<153x8192xf32, #tpu.memory_space<vmem>>, vector<153x128xf32>,
    %get3A_46 = arith.constant 5 : index
    %get3A_47 = arith.constant 0 : index
    %get3A_48 = vector.load %arg1[%get3A_46, %get3A_47] : memref<64x128xi32, #tpu.memory_space<vmem>>, vector<1x128xi32>
    %eq3A_49 = vector.broadcast %get3A_48 : vector<1x128xi32> to vector<153x128xi32>
    %eq3A_50 = arith.cmpi eq, %eq3A_49, %iota3A : vector<153x128xi32>
    %convert_element_type3A_51 = arith.extui %eq3A_50 : vector<153x128xi1> to vector<153x128xi32>
    %convert_element_type3A_52 = arith.sitofp %convert_element_type3A_51 : vector<153x128xi32> to vector<153x128xf32>
    %swap3A_53 = arith.constant 0 : index
    %swap3A_54 = arith.constant 640 : index
    %swap3A_55 = vector.load %arg2[%swap3A_53, %swap3A_54] : memref<153x8192xf32, #tpu.memory_space<vmem>>, vector<153x128xf32>
    tpu.vector_store %arg2[%swap3A_53, %swap3A_54], %convert_element_type3A_52 {strides = array<i32>} : memref<153x8192xf32, #tpu.memory_space<vmem>>, vector<153x128xf32>,
    %get3A_56 = arith.constant 6 : index
    %get3A_57 = arith.constant 0 : index
    %get3A_58 = vector.load %arg1[%get3A_56, %get3A_57] : memref<64x128xi32, #tpu.memory_space<vmem>>, vector<1x128xi32>
    %eq3A_59 = vector.broadcast %get3A_58 : vector<1x128xi32> to vector<153x128xi32>
    %eq3A_60 = arith.cmpi eq, %eq3A_59, %iota3A : vector<153x128xi32>
    %convert_element_type3A_61 = arith.extui %eq3A_60 : vector<153x128xi1> to vector<153x128xi32>
    %convert_element_type3A_62 = arith.sitofp %convert_element_type3A_61 : vector<153x128xi32> to vector<153x128xf32>
    %swap3A_63 = arith.constant 0 : index
    %swap3A_64 = arith.constant 768 : index
    %swap3A_65 = vector.load %arg2[%swap3A_63, %swap3A_64] : memref<153x8192xf32, #tpu.memory_space<vmem>>, vector<153x128xf32>
    tpu.vector_store %arg2[%swap3A_63, %swap3A_64], %convert_element_type3A_62 {strides = array<i32>} : memref<153x8192xf32, #tpu.memory_space<vmem>>, vector<153x128xf32>,
    %get3A_66 = arith.constant 7 : index
    %get3A_67 = arith.constant 0 : index
    %get3A_68 = vector.load %arg1[%get3A_66, %get3A_67] : memref<64x128xi32, #tpu.memory_space<vmem>>, vector<1x128xi32>
    %eq3A_69 = vector.broadcast %get3A_68 : vector<1x128xi32> to vector<153x128xi32>
    %eq3A_70 = arith.cmpi eq, %eq3A_69, %iota3A : vector<153x128xi32>
    %convert_element_type3A_71 = arith.extui %eq3A_70 : vector<153x128xi1> to vector<153x128xi32>
    %convert_element_type3A_72 = arith.sitofp %convert_element_type3A_71 : vector<153x128xi32> to vector<153x128xf32>
    %swap3A_73 = arith.constant 0 : index
    %swap3A_74 = arith.constant 896 : index
    %swap3A_75 = vector.load %arg2[%swap3A_73, %swap3A_74] : memref<153x8192xf32, #tpu.memory_space<vmem>>, vector<153x128xf32>
    tpu.vector_store %arg2[%swap3A_73, %swap3A_74], %convert_element_type3A_72 {strides = array<i32>} : memref<153x8192xf32, #tpu.memory_space<vmem>>, vector<153x128xf32>,
    %get3A_76 = arith.constant 8 : index
    %get3A_77 = arith.constant 0 : index
    %get3A_78 = vector.load %arg1[%get3A_76, %get3A_77] : memref<64x128xi32, #tpu.memory_space<vmem>>, vector<1x128xi32>
    %eq3A_79 = vector.broadcast %get3A_78 : vector<1x128xi32> to vector<153x128xi32>
    %eq3A_80 = arith.cmpi eq, %eq3A_79, %iota3A : vector<153x128xi32>
    %convert_element_type3A_81 = arith.extui %eq3A_80 : vector<153x128xi1> to vector<153x128xi32>
    %convert_element_type3A_82 = arith.sitofp %convert_element_type3A_81 : vector<153x128xi32> to vector<153x128xf32>
    %swap3A_83 = arith.constant 0 : index
    %swap3A_84 = arith.constant 1024 : index
    %swap3A_85 = vector.load %arg2[%swap3A_83, %swap3A_84] : memref<153x8192xf32, #tpu.memory_space<vmem>>, vector<153x128xf32>
    tpu.vector_store %arg2[%swap3A_83, %swap3A_84], %convert_element_type3A_82 {strides = array<i32>} : memref<153x8192xf32, #tpu.memory_space<vmem>>, vector<153x128xf32>,
    %get3A_86 = arith.constant 9 : index
    %get3A_87 = arith.constant 0 : index
    %get3A_88 = vector.load %arg1[%get3A_86, %get3A_87] : memref<64x128xi32, #tpu.memory_space<vmem>>, vector<1x128xi32>
    %eq3A_89 = vector.broadcast %get3A_88 : vector<1x128xi32> to vector<153x128xi32>
    %eq3A_90 = arith.cmpi eq, %eq3A_89, %iota3A : vector<153x128xi32>
    %convert_element_type3A_91 = arith.extui %eq3A_90 : vector<153x128xi1> to vector<153x128xi32>
    %convert_element_type3A_92 = arith.sitofp %convert_element_type3A_91 : vector<153x128xi32> to vector<153x128xf32>
    %swap3A_93 = arith.constant 0 : index
    %swap3A_94 = arith.constant 1152 : index
    %swap3A_95 = vector.load %arg2[%swap3A_93, %swap3A_94] : memref<153x8192xf32, #tpu.memory_space<vmem>>, vector<153x128xf32>
    tpu.vector_store %arg2[%swap3A_93, %swap3A_94], %convert_element_type3A_92 {strides = array<i32>} : memref<153x8192xf32, #tpu.memory_space<vmem>>, vector<153x128xf32>,
    %get3A_96 = arith.constant 10 : index
    %get3A_97 = arith.constant 0 : index
    %get3A_98 = vector.load %arg1[%get3A_96, %get3A_97] : memref<64x128xi32, #tpu.memory_space<vmem>>, vector<1x128xi32>
    %eq3A_99 = vector.broadcast %get3A_98 : vector<1x128xi32> to vector<153x128xi32>
    %eq3A_100 = arith.cmpi eq, %eq3A_99, %iota3A : vector<153x128xi32>
    %convert_element_type3A_101 = arith.extui %eq3A_100 : vector<153x128xi1> to vector<153x128xi32>
    %convert_element_type3A_102 = arith.sitofp %convert_element_type3A_101 : vector<153x128xi32> to vector<153x128xf32>
    %swap3A_103 = arith.constant 0 : index
    %swap3A_104 = arith.constant 1280 : index
    %swap3A_105 = vector.load %arg2[%swap3A_103, %swap3A_104] : memref<153x8192xf32, #tpu.memory_space<vmem>>, vector<153x128xf32>
    tpu.vector_store %arg2[%swap3A_103, %swap3A_104], %convert_element_type3A_102 {strides = array<i32>} : memref<153x8192xf32, #tpu.memory_space<vmem>>, vector<153x128xf32>,
    %get3A_106 = arith.constant 11 : index
    %get3A_107 = arith.constant 0 : index
    %get3A_108 = vector.load %arg1[%get3A_106, %get3A_107] : memref<64x128xi32, #tpu.memory_space<vmem>>, vector<1x128xi32>
    %eq3A_109 = vector.broadcast %get3A_108 : vector<1x128xi32> to vector<153x128xi32>
    %eq3A_110 = arith.cmpi eq, %eq3A_109, %iota3A : vector<153x128xi32>
    %convert_element_type3A_111 = arith.extui %eq3A_110 : vector<153x128xi1> to vector<153x128xi32>
    %convert_element_type3A_112 = arith.sitofp %convert_element_type3A_111 : vector<153x128xi32> to vector<153x128xf32>
    %swap3A_113 = arith.constant 0 : index
    %swap3A_114 = arith.constant 1408 : index
    %swap3A_115 = vector.load %arg2[%swap3A_113, %swap3A_114] : memref<153x8192xf32, #tpu.memory_space<vmem>>, vector<153x128xf32>
    tpu.vector_store %arg2[%swap3A_113, %swap3A_114], %convert_element_type3A_112 {strides = array<i32>} : memref<153x8192xf32, #tpu.memory_space<vmem>>, vector<153x128xf32>,
    %get3A_116 = arith.constant 12 : index
    %get3A_117 = arith.constant 0 : index
    %get3A_118 = vector.load %arg1[%get3A_116, %get3A_117] : memref<64x128xi32, #tpu.memory_space<vmem>>, vector<1x128xi32>
    %eq3A_119 = vector.broadcast %get3A_118 : vector<1x128xi32> to vector<153x128xi32>
    %eq3A_120 = arith.cmpi eq, %eq3A_119, %iota3A : vector<153x128xi32>
    %convert_element_type3A_121 = arith.extui %eq3A_120 : vector<153x128xi1> to vector<153x128xi32>
    %convert_element_type3A_122 = arith.sitofp %convert_element_type3A_121 : vector<153x128xi32> to vector<153x128xf32>
    %swap3A_123 = arith.constant 0 : index
    %swap3A_124 = arith.constant 1536 : index
    %swap3A_125 = vector.load %arg2[%swap3A_123, %swap3A_124] : memref<153x8192xf32, #tpu.memory_space<vmem>>, vector<153x128xf32>
    tpu.vector_store %arg2[%swap3A_123, %swap3A_124], %convert_element_type3A_122 {strides = array<i32>} : memref<153x8192xf32, #tpu.memory_space<vmem>>, vector<153x128xf32>,
    %get3A_126 = arith.constant 13 : index
    %get3A_127 = arith.constant 0 : index
    %get3A_128 = vector.load %arg1[%get3A_126, %get3A_127] : memref<64x128xi32, #tpu.memory_space<vmem>>, vector<1x128xi32>
    %eq3A_129 = vector.broadcast %get3A_128 : vector<1x128xi32> to vector<153x128xi32>
    %eq3A_130 = arith.cmpi eq, %eq3A_129, %iota3A : vector<153x128xi32>
    %convert_element_type3A_131 = arith.extui %eq3A_130 : vector<153x128xi1> to vector<153x128xi32>
    %convert_element_type3A_132 = arith.sitofp %convert_element_type3A_131 : vector<153x128xi32> to vector<153x128xf32>
    %swap3A_133 = arith.constant 0 : index
    %swap3A_134 = arith.constant 1664 : index
    %swap3A_135 = vector.load %arg2[%swap3A_133, %swap3A_134] : memref<153x8192xf32, #tpu.memory_space<vmem>>, vector<153x128xf32>
    tpu.vector_store %arg2[%swap3A_133, %swap3A_134], %convert_element_type3A_132 {strides = array<i32>} : memref<153x8192xf32, #tpu.memory_space<vmem>>, vector<153x128xf32>,
    %get3A_136 = arith.constant 14 : index
    %get3A_137 = arith.constant 0 : index
    %get3A_138 = vector.load %arg1[%get3A_136, %get3A_137] : memref<64x128xi32, #tpu.memory_space<vmem>>, vector<1x128xi32>
    %eq3A_139 = vector.broadcast %get3A_138 : vector<1x128xi32> to vector<153x128xi32>
    %eq3A_140 = arith.cmpi eq, %eq3A_139, %iota3A : vector<153x128xi32>
    %convert_element_type3A_141 = arith.extui %eq3A_140 : vector<153x128xi1> to vector<153x128xi32>
    %convert_element_type3A_142 = arith.sitofp %convert_element_type3A_141 : vector<153x128xi32> to vector<153x128xf32>
    %swap3A_143 = arith.constant 0 : index
    %swap3A_144 = arith.constant 1792 : index
    %swap3A_145 = vector.load %arg2[%swap3A_143, %swap3A_144] : memref<153x8192xf32, #tpu.memory_space<vmem>>, vector<153x128xf32>
    tpu.vector_store %arg2[%swap3A_143, %swap3A_144], %convert_element_type3A_142 {strides = array<i32>} : memref<153x8192xf32, #tpu.memory_space<vmem>>, vector<153x128xf32>,
    %get3A_146 = arith.constant 15 : index
    %get3A_147 = arith.constant 0 : index
    %get3A_148 = vector.load %arg1[%get3A_146, %get3A_147] : memref<64x128xi32, #tpu.memory_space<vmem>>, vector<1x128xi32>
    %eq3A_149 = vector.broadcast %get3A_148 : vector<1x128xi32> to vector<153x128xi32>
    %eq3A_150 = arith.cmpi eq, %eq3A_149, %iota3A : vector<153x128xi32>
    %convert_element_type3A_151 = arith.extui %eq3A_150 : vector<153x128xi1> to vector<153x128xi32>
    %convert_element_type3A_152 = arith.sitofp %convert_element_type3A_151 : vector<153x128xi32> to vector<153x128xf32>
    %swap3A_153 = arith.constant 0 : index
    %swap3A_154 = arith.constant 1920 : index
    %swap3A_155 = vector.load %arg2[%swap3A_153, %swap3A_154] : memref<153x8192xf32, #tpu.memory_space<vmem>>, vector<153x128xf32>
    tpu.vector_store %arg2[%swap3A_153, %swap3A_154], %convert_element_type3A_152 {strides = array<i32>} : memref<153x8192xf32, #tpu.memory_space<vmem>>, vector<153x128xf32>,
    %get3A_156 = arith.constant 16 : index
    %get3A_157 = arith.constant 0 : index
    %get3A_158 = vector.load %arg1[%get3A_156, %get3A_157] : memref<64x128xi32, #tpu.memory_space<vmem>>, vector<1x128xi32>
    %eq3A_159 = vector.broadcast %get3A_158 : vector<1x128xi32> to vector<153x128xi32>
    %eq3A_160 = arith.cmpi eq, %eq3A_159, %iota3A : vector<153x128xi32>
    %convert_element_type3A_161 = arith.extui %eq3A_160 : vector<153x128xi1> to vector<153x128xi32>
    %convert_element_type3A_162 = arith.sitofp %convert_element_type3A_161 : vector<153x128xi32> to vector<153x128xf32>
    %swap3A_163 = arith.constant 0 : index
    %swap3A_164 = arith.constant 2048 : index
    %swap3A_165 = vector.load %arg2[%swap3A_163, %swap3A_164] : memref<153x8192xf32, #tpu.memory_space<vmem>>, vector<153x128xf32>
    tpu.vector_store %arg2[%swap3A_163, %swap3A_164], %convert_element_type3A_162 {strides = array<i32>} : memref<153x8192xf32, #tpu.memory_space<vmem>>, vector<153x128xf32>,
    %get3A_166 = arith.constant 17 : index
    %get3A_167 = arith.constant 0 : index
    %get3A_168 = vector.load %arg1[%get3A_166, %get3A_167] : memref<64x128xi32, #tpu.memory_space<vmem>>, vector<1x128xi32>
    %eq3A_169 = vector.broadcast %get3A_168 : vector<1x128xi32> to vector<153x128xi32>
    %eq3A_170 = arith.cmpi eq, %eq3A_169, %iota3A : vector<153x128xi32>
    %convert_element_type3A_171 = arith.extui %eq3A_170 : vector<153x128xi1> to vector<153x128xi32>
    %convert_element_type3A_172 = arith.sitofp %convert_element_type3A_171 : vector<153x128xi32> to vector<153x128xf32>
    %swap3A_173 = arith.constant 0 : index
    %swap3A_174 = arith.constant 2176 : index
    %swap3A_175 = vector.load %arg2[%swap3A_173, %swap3A_174] : memref<153x8192xf32, #tpu.memory_space<vmem>>, vector<153x128xf32>
    tpu.vector_store %arg2[%swap3A_173, %swap3A_174], %convert_element_type3A_172 {strides = array<i32>} : memref<153x8192xf32, #tpu.memory_space<vmem>>, vector<153x128xf32>,
    %get3A_176 = arith.constant 18 : index
    %get3A_177 = arith.constant 0 : index
    %get3A_178 = vector.load %arg1[%get3A_176, %get3A_177] : memref<64x128xi32, #tpu.memory_space<vmem>>, vector<1x128xi32>
    %eq3A_179 = vector.broadcast %get3A_178 : vector<1x128xi32> to vector<153x128xi32>
    %eq3A_180 = arith.cmpi eq, %eq3A_179, %iota3A : vector<153x128xi32>
    %convert_element_type3A_181 = arith.extui %eq3A_180 : vector<153x128xi1> to vector<153x128xi32>
    %convert_element_type3A_182 = arith.sitofp %convert_element_type3A_181 : vector<153x128xi32> to vector<153x128xf32>
    %swap3A_183 = arith.constant 0 : index
    %swap3A_184 = arith.constant 2304 : index
    %swap3A_185 = vector.load %arg2[%swap3A_183, %swap3A_184] : memref<153x8192xf32, #tpu.memory_space<vmem>>, vector<153x128xf32>
    tpu.vector_store %arg2[%swap3A_183, %swap3A_184], %convert_element_type3A_182 {strides = array<i32>} : memref<153x8192xf32, #tpu.memory_space<vmem>>, vector<153x128xf32>,
    %get3A_186 = arith.constant 19 : index
    %get3A_187 = arith.constant 0 : index
    %get3A_188 = vector.load %arg1[%get3A_186, %get3A_187] : memref<64x128xi32, #tpu.memory_space<vmem>>, vector<1x128xi32>
    %eq3A_189 = vector.broadcast %get3A_188 : vector<1x128xi32> to vector<153x128xi32>
    %eq3A_190 = arith.cmpi eq, %eq3A_189, %iota3A : vector<153x128xi32>
    %convert_element_type3A_191 = arith.extui %eq3A_190 : vector<153x128xi1> to vector<153x128xi32>
    %convert_element_type3A_192 = arith.sitofp %convert_element_type3A_191 : vector<153x128xi32> to vector<153x128xf32>
    %swap3A_193 = arith.constant 0 : index
    %swap3A_194 = arith.constant 2432 : index
    %swap3A_195 = vector.load %arg2[%swap3A_193, %swap3A_194] : memref<153x8192xf32, #tpu.memory_space<vmem>>, vector<153x128xf32>
    tpu.vector_store %arg2[%swap3A_193, %swap3A_194], %convert_element_type3A_192 {strides = array<i32>} : memref<153x8192xf32, #tpu.memory_space<vmem>>, vector<153x128xf32>,
    %get3A_196 = arith.constant 20 : index
    %get3A_197 = arith.constant 0 : index
    %get3A_198 = vector.load %arg1[%get3A_196, %get3A_197] : memref<64x128xi32, #tpu.memory_space<vmem>>, vector<1x128xi32>
    %eq3A_199 = vector.broadcast %get3A_198 : vector<1x128xi32> to vector<153x128xi32>
    %eq3A_200 = arith.cmpi eq, %eq3A_199, %iota3A : vector<153x128xi32>
    %convert_element_type3A_201 = arith.extui %eq3A_200 : vector<153x128xi1> to vector<153x128xi32>
    %convert_element_type3A_202 = arith.sitofp %convert_element_type3A_201 : vector<153x128xi32> to vector<153x128xf32>
    %swap3A_203 = arith.constant 0 : index
    %swap3A_204 = arith.constant 2560 : index
    %swap3A_205 = vector.load %arg2[%swap3A_203, %swap3A_204] : memref<153x8192xf32, #tpu.memory_space<vmem>>, vector<153x128xf32>
    tpu.vector_store %arg2[%swap3A_203, %swap3A_204], %convert_element_type3A_202 {strides = array<i32>} : memref<153x8192xf32, #tpu.memory_space<vmem>>, vector<153x128xf32>,
    %get3A_206 = arith.constant 21 : index
    %get3A_207 = arith.constant 0 : index
    %get3A_208 = vector.load %arg1[%get3A_206, %get3A_207] : memref<64x128xi32, #tpu.memory_space<vmem>>, vector<1x128xi32>
    %eq3A_209 = vector.broadcast %get3A_208 : vector<1x128xi32> to vector<153x128xi32>
    %eq3A_210 = arith.cmpi eq, %eq3A_209, %iota3A : vector<153x128xi32>
    %convert_element_type3A_211 = arith.extui %eq3A_210 : vector<153x128xi1> to vector<153x128xi32>
    %convert_element_type3A_212 = arith.sitofp %convert_element_type3A_211 : vector<153x128xi32> to vector<153x128xf32>
    %swap3A_213 = arith.constant 0 : index
    %swap3A_214 = arith.constant 2688 : index
    %swap3A_215 = vector.load %arg2[%swap3A_213, %swap3A_214] : memref<153x8192xf32, #tpu.memory_space<vmem>>, vector<153x128xf32>
    tpu.vector_store %arg2[%swap3A_213, %swap3A_214], %convert_element_type3A_212 {strides = array<i32>} : memref<153x8192xf32, #tpu.memory_space<vmem>>, vector<153x128xf32>,
    %get3A_216 = arith.constant 22 : index
    %get3A_217 = arith.constant 0 : index
    %get3A_218 = vector.load %arg1[%get3A_216, %get3A_217] : memref<64x128xi32, #tpu.memory_space<vmem>>, vector<1x128xi32>
    %eq3A_219 = vector.broadcast %get3A_218 : vector<1x128xi32> to vector<153x128xi32>
    %eq3A_220 = arith.cmpi eq, %eq3A_219, %iota3A : vector<153x128xi32>
    %convert_element_type3A_221 = arith.extui %eq3A_220 : vector<153x128xi1> to vector<153x128xi32>
    %convert_element_type3A_222 = arith.sitofp %convert_element_type3A_221 : vector<153x128xi32> to vector<153x128xf32>
    %swap3A_223 = arith.constant 0 : index
    %swap3A_224 = arith.constant 2816 : index
    %swap3A_225 = vector.load %arg2[%swap3A_223, %swap3A_224] : memref<153x8192xf32, #tpu.memory_space<vmem>>, vector<153x128xf32>
    tpu.vector_store %arg2[%swap3A_223, %swap3A_224], %convert_element_type3A_222 {strides = array<i32>} : memref<153x8192xf32, #tpu.memory_space<vmem>>, vector<153x128xf32>,
    %get3A_226 = arith.constant 23 : index
    %get3A_227 = arith.constant 0 : index
    %get3A_228 = vector.load %arg1[%get3A_226, %get3A_227] : memref<64x128xi32, #tpu.memory_space<vmem>>, vector<1x128xi32>
    %eq3A_229 = vector.broadcast %get3A_228 : vector<1x128xi32> to vector<153x128xi32>
    %eq3A_230 = arith.cmpi eq, %eq3A_229, %iota3A : vector<153x128xi32>
    %convert_element_type3A_231 = arith.extui %eq3A_230 : vector<153x128xi1> to vector<153x128xi32>
    %convert_element_type3A_232 = arith.sitofp %convert_element_type3A_231 : vector<153x128xi32> to vector<153x128xf32>
    %swap3A_233 = arith.constant 0 : index
    %swap3A_234 = arith.constant 2944 : index
    %swap3A_235 = vector.load %arg2[%swap3A_233, %swap3A_234] : memref<153x8192xf32, #tpu.memory_space<vmem>>, vector<153x128xf32>
    tpu.vector_store %arg2[%swap3A_233, %swap3A_234], %convert_element_type3A_232 {strides = array<i32>} : memref<153x8192xf32, #tpu.memory_space<vmem>>, vector<153x128xf32>,
    %get3A_236 = arith.constant 24 : index
    %get3A_237 = arith.constant 0 : index
    %get3A_238 = vector.load %arg1[%get3A_236, %get3A_237] : memref<64x128xi32, #tpu.memory_space<vmem>>, vector<1x128xi32>
    %eq3A_239 = vector.broadcast %get3A_238 : vector<1x128xi32> to vector<153x128xi32>
    %eq3A_240 = arith.cmpi eq, %eq3A_239, %iota3A : vector<153x128xi32>
    %convert_element_type3A_241 = arith.extui %eq3A_240 : vector<153x128xi1> to vector<153x128xi32>
    %convert_element_type3A_242 = arith.sitofp %convert_element_type3A_241 : vector<153x128xi32> to vector<153x128xf32>
    %swap3A_243 = arith.constant 0 : index
    %swap3A_244 = arith.constant 3072 : index
    %swap3A_245 = vector.load %arg2[%swap3A_243, %swap3A_244] : memref<153x8192xf32, #tpu.memory_space<vmem>>, vector<153x128xf32>
    tpu.vector_store %arg2[%swap3A_243, %swap3A_244], %convert_element_type3A_242 {strides = array<i32>} : memref<153x8192xf32, #tpu.memory_space<vmem>>, vector<153x128xf32>,
    %get3A_246 = arith.constant 25 : index
    %get3A_247 = arith.constant 0 : index
    %get3A_248 = vector.load %arg1[%get3A_246, %get3A_247] : memref<64x128xi32, #tpu.memory_space<vmem>>, vector<1x128xi32>
    %eq3A_249 = vector.broadcast %get3A_248 : vector<1x128xi32> to vector<153x128xi32>
    %eq3A_250 = arith.cmpi eq, %eq3A_249, %iota3A : vector<153x128xi32>
    %convert_element_type3A_251 = arith.extui %eq3A_250 : vector<153x128xi1> to vector<153x128xi32>
    %convert_element_type3A_252 = arith.sitofp %convert_element_type3A_251 : vector<153x128xi32> to vector<153x128xf32>
    %swap3A_253 = arith.constant 0 : index
    %swap3A_254 = arith.constant 3200 : index
    %swap3A_255 = vector.load %arg2[%swap3A_253, %swap3A_254] : memref<153x8192xf32, #tpu.memory_space<vmem>>, vector<153x128xf32>
    tpu.vector_store %arg2[%swap3A_253, %swap3A_254], %convert_element_type3A_252 {strides = array<i32>} : memref<153x8192xf32, #tpu.memory_space<vmem>>, vector<153x128xf32>,
    %get3A_256 = arith.constant 26 : index
    %get3A_257 = arith.constant 0 : index
    %get3A_258 = vector.load %arg1[%get3A_256, %get3A_257] : memref<64x128xi32, #tpu.memory_space<vmem>>, vector<1x128xi32>
    %eq3A_259 = vector.broadcast %get3A_258 : vector<1x128xi32> to vector<153x128xi32>
    %eq3A_260 = arith.cmpi eq, %eq3A_259, %iota3A : vector<153x128xi32>
    %convert_element_type3A_261 = arith.extui %eq3A_260 : vector<153x128xi1> to vector<153x128xi32>
    %convert_element_type3A_262 = arith.sitofp %convert_element_type3A_261 : vector<153x128xi32> to vector<153x128xf32>
    %swap3A_263 = arith.constant 0 : index
    %swap3A_264 = arith.constant 3328 : index
    %swap3A_265 = vector.load %arg2[%swap3A_263, %swap3A_264] : memref<153x8192xf32, #tpu.memory_space<vmem>>, vector<153x128xf32>
    tpu.vector_store %arg2[%swap3A_263, %swap3A_264], %convert_element_type3A_262 {strides = array<i32>} : memref<153x8192xf32, #tpu.memory_space<vmem>>, vector<153x128xf32>,
    %get3A_266 = arith.constant 27 : index
    %get3A_267 = arith.constant 0 : index
    %get3A_268 = vector.load %arg1[%get3A_266, %get3A_267] : memref<64x128xi32, #tpu.memory_space<vmem>>, vector<1x128xi32>
    %eq3A_269 = vector.broadcast %get3A_268 : vector<1x128xi32> to vector<153x128xi32>
    %eq3A_270 = arith.cmpi eq, %eq3A_269, %iota3A : vector<153x128xi32>
    %convert_element_type3A_271 = arith.extui %eq3A_270 : vector<153x128xi1> to vector<153x128xi32>
    %convert_element_type3A_272 = arith.sitofp %convert_element_type3A_271 : vector<153x128xi32> to vector<153x128xf32>
    %swap3A_273 = arith.constant 0 : index
    %swap3A_274 = arith.constant 3456 : index
    %swap3A_275 = vector.load %arg2[%swap3A_273, %swap3A_274] : memref<153x8192xf32, #tpu.memory_space<vmem>>, vector<153x128xf32>
    tpu.vector_store %arg2[%swap3A_273, %swap3A_274], %convert_element_type3A_272 {strides = array<i32>} : memref<153x8192xf32, #tpu.memory_space<vmem>>, vector<153x128xf32>,
    %get3A_276 = arith.constant 28 : index
    %get3A_277 = arith.constant 0 : index
    %get3A_278 = vector.load %arg1[%get3A_276, %get3A_277] : memref<64x128xi32, #tpu.memory_space<vmem>>, vector<1x128xi32>
    %eq3A_279 = vector.broadcast %get3A_278 : vector<1x128xi32> to vector<153x128xi32>
    %eq3A_280 = arith.cmpi eq, %eq3A_279, %iota3A : vector<153x128xi32>
    %convert_element_type3A_281 = arith.extui %eq3A_280 : vector<153x128xi1> to vector<153x128xi32>
    %convert_element_type3A_282 = arith.sitofp %convert_element_type3A_281 : vector<153x128xi32> to vector<153x128xf32>
    %swap3A_283 = arith.constant 0 : index
    %swap3A_284 = arith.constant 3584 : index
    %swap3A_285 = vector.load %arg2[%swap3A_283, %swap3A_284] : memref<153x8192xf32, #tpu.memory_space<vmem>>, vector<153x128xf32>
    tpu.vector_store %arg2[%swap3A_283, %swap3A_284], %convert_element_type3A_282 {strides = array<i32>} : memref<153x8192xf32, #tpu.memory_space<vmem>>, vector<153x128xf32>,
    %get3A_286 = arith.constant 29 : index
    %get3A_287 = arith.constant 0 : index
    %get3A_288 = vector.load %arg1[%get3A_286, %get3A_287] : memref<64x128xi32, #tpu.memory_space<vmem>>, vector<1x128xi32>
    %eq3A_289 = vector.broadcast %get3A_288 : vector<1x128xi32> to vector<153x128xi32>
    %eq3A_290 = arith.cmpi eq, %eq3A_289, %iota3A : vector<153x128xi32>
    %convert_element_type3A_291 = arith.extui %eq3A_290 : vector<153x128xi1> to vector<153x128xi32>
    %convert_element_type3A_292 = arith.sitofp %convert_element_type3A_291 : vector<153x128xi32> to vector<153x128xf32>
    %swap3A_293 = arith.constant 0 : index
    %swap3A_294 = arith.constant 3712 : index
    %swap3A_295 = vector.load %arg2[%swap3A_293, %swap3A_294] : memref<153x8192xf32, #tpu.memory_space<vmem>>, vector<153x128xf32>
    tpu.vector_store %arg2[%swap3A_293, %swap3A_294], %convert_element_type3A_292 {strides = array<i32>} : memref<153x8192xf32, #tpu.memory_space<vmem>>, vector<153x128xf32>,
    %get3A_296 = arith.constant 30 : index
    %get3A_297 = arith.constant 0 : index
    %get3A_298 = vector.load %arg1[%get3A_296, %get3A_297] : memref<64x128xi32, #tpu.memory_space<vmem>>, vector<1x128xi32>
    %eq3A_299 = vector.broadcast %get3A_298 : vector<1x128xi32> to vector<153x128xi32>
    %eq3A_300 = arith.cmpi eq, %eq3A_299, %iota3A : vector<153x128xi32>
    %convert_element_type3A_301 = arith.extui %eq3A_300 : vector<153x128xi1> to vector<153x128xi32>
    %convert_element_type3A_302 = arith.sitofp %convert_element_type3A_301 : vector<153x128xi32> to vector<153x128xf32>
    %swap3A_303 = arith.constant 0 : index
    %swap3A_304 = arith.constant 3840 : index
    %swap3A_305 = vector.load %arg2[%swap3A_303, %swap3A_304] : memref<153x8192xf32, #tpu.memory_space<vmem>>, vector<153x128xf32>
    tpu.vector_store %arg2[%swap3A_303, %swap3A_304], %convert_element_type3A_302 {strides = array<i32>} : memref<153x8192xf32, #tpu.memory_space<vmem>>, vector<153x128xf32>,
    %get3A_306 = arith.constant 31 : index
    %get3A_307 = arith.constant 0 : index
    %get3A_308 = vector.load %arg1[%get3A_306, %get3A_307] : memref<64x128xi32, #tpu.memory_space<vmem>>, vector<1x128xi32>
    %eq3A_309 = vector.broadcast %get3A_308 : vector<1x128xi32> to vector<153x128xi32>
    %eq3A_310 = arith.cmpi eq, %eq3A_309, %iota3A : vector<153x128xi32>
    %convert_element_type3A_311 = arith.extui %eq3A_310 : vector<153x128xi1> to vector<153x128xi32>
    %convert_element_type3A_312 = arith.sitofp %convert_element_type3A_311 : vector<153x128xi32> to vector<153x128xf32>
    %swap3A_313 = arith.constant 0 : index
    %swap3A_314 = arith.constant 3968 : index
    %swap3A_315 = vector.load %arg2[%swap3A_313, %swap3A_314] : memref<153x8192xf32, #tpu.memory_space<vmem>>, vector<153x128xf32>
    tpu.vector_store %arg2[%swap3A_313, %swap3A_314], %convert_element_type3A_312 {strides = array<i32>} : memref<153x8192xf32, #tpu.memory_space<vmem>>, vector<153x128xf32>,
    %get3A_316 = arith.constant 32 : index
    %get3A_317 = arith.constant 0 : index
    %get3A_318 = vector.load %arg1[%get3A_316, %get3A_317] : memref<64x128xi32, #tpu.memory_space<vmem>>, vector<1x128xi32>
    %eq3A_319 = vector.broadcast %get3A_318 : vector<1x128xi32> to vector<153x128xi32>
    %eq3A_320 = arith.cmpi eq, %eq3A_319, %iota3A : vector<153x128xi32>
    %convert_element_type3A_321 = arith.extui %eq3A_320 : vector<153x128xi1> to vector<153x128xi32>
    %convert_element_type3A_322 = arith.sitofp %convert_element_type3A_321 : vector<153x128xi32> to vector<153x128xf32>
    %swap3A_323 = arith.constant 0 : index
    %swap3A_324 = arith.constant 4096 : index
    %swap3A_325 = vector.load %arg2[%swap3A_323, %swap3A_324] : memref<153x8192xf32, #tpu.memory_space<vmem>>, vector<153x128xf32>
    tpu.vector_store %arg2[%swap3A_323, %swap3A_324], %convert_element_type3A_322 {strides = array<i32>} : memref<153x8192xf32, #tpu.memory_space<vmem>>, vector<153x128xf32>,
    %get3A_326 = arith.constant 33 : index
    %get3A_327 = arith.constant 0 : index
    %get3A_328 = vector.load %arg1[%get3A_326, %get3A_327] : memref<64x128xi32, #tpu.memory_space<vmem>>, vector<1x128xi32>
    %eq3A_329 = vector.broadcast %get3A_328 : vector<1x128xi32> to vector<153x128xi32>
    %eq3A_330 = arith.cmpi eq, %eq3A_329, %iota3A : vector<153x128xi32>
    %convert_element_type3A_331 = arith.extui %eq3A_330 : vector<153x128xi1> to vector<153x128xi32>
    %convert_element_type3A_332 = arith.sitofp %convert_element_type3A_331 : vector<153x128xi32> to vector<153x128xf32>
    %swap3A_333 = arith.constant 0 : index
    %swap3A_334 = arith.constant 4224 : index
    %swap3A_335 = vector.load %arg2[%swap3A_333, %swap3A_334] : memref<153x8192xf32, #tpu.memory_space<vmem>>, vector<153x128xf32>
    tpu.vector_store %arg2[%swap3A_333, %swap3A_334], %convert_element_type3A_332 {strides = array<i32>} : memref<153x8192xf32, #tpu.memory_space<vmem>>, vector<153x128xf32>,
    %get3A_336 = arith.constant 34 : index
    %get3A_337 = arith.constant 0 : index
    %get3A_338 = vector.load %arg1[%get3A_336, %get3A_337] : memref<64x128xi32, #tpu.memory_space<vmem>>, vector<1x128xi32>
    %eq3A_339 = vector.broadcast %get3A_338 : vector<1x128xi32> to vector<153x128xi32>
    %eq3A_340 = arith.cmpi eq, %eq3A_339, %iota3A : vector<153x128xi32>
    %convert_element_type3A_341 = arith.extui %eq3A_340 : vector<153x128xi1> to vector<153x128xi32>
    %convert_element_type3A_342 = arith.sitofp %convert_element_type3A_341 : vector<153x128xi32> to vector<153x128xf32>
    %swap3A_343 = arith.constant 0 : index
    %swap3A_344 = arith.constant 4352 : index
    %swap3A_345 = vector.load %arg2[%swap3A_343, %swap3A_344] : memref<153x8192xf32, #tpu.memory_space<vmem>>, vector<153x128xf32>
    tpu.vector_store %arg2[%swap3A_343, %swap3A_344], %convert_element_type3A_342 {strides = array<i32>} : memref<153x8192xf32, #tpu.memory_space<vmem>>, vector<153x128xf32>,
    %get3A_346 = arith.constant 35 : index
    %get3A_347 = arith.constant 0 : index
    %get3A_348 = vector.load %arg1[%get3A_346, %get3A_347] : memref<64x128xi32, #tpu.memory_space<vmem>>, vector<1x128xi32>
    %eq3A_349 = vector.broadcast %get3A_348 : vector<1x128xi32> to vector<153x128xi32>
    %eq3A_350 = arith.cmpi eq, %eq3A_349, %iota3A : vector<153x128xi32>
    %convert_element_type3A_351 = arith.extui %eq3A_350 : vector<153x128xi1> to vector<153x128xi32>
    %convert_element_type3A_352 = arith.sitofp %convert_element_type3A_351 : vector<153x128xi32> to vector<153x128xf32>
    %swap3A_353 = arith.constant 0 : index
    %swap3A_354 = arith.constant 4480 : index
    %swap3A_355 = vector.load %arg2[%swap3A_353, %swap3A_354] : memref<153x8192xf32, #tpu.memory_space<vmem>>, vector<153x128xf32>
    tpu.vector_store %arg2[%swap3A_353, %swap3A_354], %convert_element_type3A_352 {strides = array<i32>} : memref<153x8192xf32, #tpu.memory_space<vmem>>, vector<153x128xf32>,
    %get3A_356 = arith.constant 36 : index
    %get3A_357 = arith.constant 0 : index
    %get3A_358 = vector.load %arg1[%get3A_356, %get3A_357] : memref<64x128xi32, #tpu.memory_space<vmem>>, vector<1x128xi32>
    %eq3A_359 = vector.broadcast %get3A_358 : vector<1x128xi32> to vector<153x128xi32>
    %eq3A_360 = arith.cmpi eq, %eq3A_359, %iota3A : vector<153x128xi32>
    %convert_element_type3A_361 = arith.extui %eq3A_360 : vector<153x128xi1> to vector<153x128xi32>
    %convert_element_type3A_362 = arith.sitofp %convert_element_type3A_361 : vector<153x128xi32> to vector<153x128xf32>
    %swap3A_363 = arith.constant 0 : index
    %swap3A_364 = arith.constant 4608 : index
    %swap3A_365 = vector.load %arg2[%swap3A_363, %swap3A_364] : memref<153x8192xf32, #tpu.memory_space<vmem>>, vector<153x128xf32>
    tpu.vector_store %arg2[%swap3A_363, %swap3A_364], %convert_element_type3A_362 {strides = array<i32>} : memref<153x8192xf32, #tpu.memory_space<vmem>>, vector<153x128xf32>,
    %get3A_366 = arith.constant 37 : index
    %get3A_367 = arith.constant 0 : index
    %get3A_368 = vector.load %arg1[%get3A_366, %get3A_367] : memref<64x128xi32, #tpu.memory_space<vmem>>, vector<1x128xi32>
    %eq3A_369 = vector.broadcast %get3A_368 : vector<1x128xi32> to vector<153x128xi32>
    %eq3A_370 = arith.cmpi eq, %eq3A_369, %iota3A : vector<153x128xi32>
    %convert_element_type3A_371 = arith.extui %eq3A_370 : vector<153x128xi1> to vector<153x128xi32>
    %convert_element_type3A_372 = arith.sitofp %convert_element_type3A_371 : vector<153x128xi32> to vector<153x128xf32>
    %swap3A_373 = arith.constant 0 : index
    %swap3A_374 = arith.constant 4736 : index
    %swap3A_375 = vector.load %arg2[%swap3A_373, %swap3A_374] : memref<153x8192xf32, #tpu.memory_space<vmem>>, vector<153x128xf32>
    tpu.vector_store %arg2[%swap3A_373, %swap3A_374], %convert_element_type3A_372 {strides = array<i32>} : memref<153x8192xf32, #tpu.memory_space<vmem>>, vector<153x128xf32>,
    %get3A_376 = arith.constant 38 : index
    %get3A_377 = arith.constant 0 : index
    %get3A_378 = vector.load %arg1[%get3A_376, %get3A_377] : memref<64x128xi32, #tpu.memory_space<vmem>>, vector<1x128xi32>
    %eq3A_379 = vector.broadcast %get3A_378 : vector<1x128xi32> to vector<153x128xi32>
    %eq3A_380 = arith.cmpi eq, %eq3A_379, %iota3A : vector<153x128xi32>
    %convert_element_type3A_381 = arith.extui %eq3A_380 : vector<153x128xi1> to vector<153x128xi32>
    %convert_element_type3A_382 = arith.sitofp %convert_element_type3A_381 : vector<153x128xi32> to vector<153x128xf32>
    %swap3A_383 = arith.constant 0 : index
    %swap3A_384 = arith.constant 4864 : index
    %swap3A_385 = vector.load %arg2[%swap3A_383, %swap3A_384] : memref<153x8192xf32, #tpu.memory_space<vmem>>, vector<153x128xf32>
    tpu.vector_store %arg2[%swap3A_383, %swap3A_384], %convert_element_type3A_382 {strides = array<i32>} : memref<153x8192xf32, #tpu.memory_space<vmem>>, vector<153x128xf32>,
    %get3A_386 = arith.constant 39 : index
    %get3A_387 = arith.constant 0 : index
    %get3A_388 = vector.load %arg1[%get3A_386, %get3A_387] : memref<64x128xi32, #tpu.memory_space<vmem>>, vector<1x128xi32>
    %eq3A_389 = vector.broadcast %get3A_388 : vector<1x128xi32> to vector<153x128xi32>
    %eq3A_390 = arith.cmpi eq, %eq3A_389, %iota3A : vector<153x128xi32>
    %convert_element_type3A_391 = arith.extui %eq3A_390 : vector<153x128xi1> to vector<153x128xi32>
    %convert_element_type3A_392 = arith.sitofp %convert_element_type3A_391 : vector<153x128xi32> to vector<153x128xf32>
    %swap3A_393 = arith.constant 0 : index
    %swap3A_394 = arith.constant 4992 : index
    %swap3A_395 = vector.load %arg2[%swap3A_393, %swap3A_394] : memref<153x8192xf32, #tpu.memory_space<vmem>>, vector<153x128xf32>
    tpu.vector_store %arg2[%swap3A_393, %swap3A_394], %convert_element_type3A_392 {strides = array<i32>} : memref<153x8192xf32, #tpu.memory_space<vmem>>, vector<153x128xf32>,
    %get3A_396 = arith.constant 40 : index
    %get3A_397 = arith.constant 0 : index
    %get3A_398 = vector.load %arg1[%get3A_396, %get3A_397] : memref<64x128xi32, #tpu.memory_space<vmem>>, vector<1x128xi32>
    %eq3A_399 = vector.broadcast %get3A_398 : vector<1x128xi32> to vector<153x128xi32>
    %eq3A_400 = arith.cmpi eq, %eq3A_399, %iota3A : vector<153x128xi32>
    %convert_element_type3A_401 = arith.extui %eq3A_400 : vector<153x128xi1> to vector<153x128xi32>
    %convert_element_type3A_402 = arith.sitofp %convert_element_type3A_401 : vector<153x128xi32> to vector<153x128xf32>
    %swap3A_403 = arith.constant 0 : index
    %swap3A_404 = arith.constant 5120 : index
    %swap3A_405 = vector.load %arg2[%swap3A_403, %swap3A_404] : memref<153x8192xf32, #tpu.memory_space<vmem>>, vector<153x128xf32>
    tpu.vector_store %arg2[%swap3A_403, %swap3A_404], %convert_element_type3A_402 {strides = array<i32>} : memref<153x8192xf32, #tpu.memory_space<vmem>>, vector<153x128xf32>,
    %get3A_406 = arith.constant 41 : index
    %get3A_407 = arith.constant 0 : index
    %get3A_408 = vector.load %arg1[%get3A_406, %get3A_407] : memref<64x128xi32, #tpu.memory_space<vmem>>, vector<1x128xi32>
    %eq3A_409 = vector.broadcast %get3A_408 : vector<1x128xi32> to vector<153x128xi32>
    %eq3A_410 = arith.cmpi eq, %eq3A_409, %iota3A : vector<153x128xi32>
    %convert_element_type3A_411 = arith.extui %eq3A_410 : vector<153x128xi1> to vector<153x128xi32>
    %convert_element_type3A_412 = arith.sitofp %convert_element_type3A_411 : vector<153x128xi32> to vector<153x128xf32>
    %swap3A_413 = arith.constant 0 : index
    %swap3A_414 = arith.constant 5248 : index
    %swap3A_415 = vector.load %arg2[%swap3A_413, %swap3A_414] : memref<153x8192xf32, #tpu.memory_space<vmem>>, vector<153x128xf32>
    tpu.vector_store %arg2[%swap3A_413, %swap3A_414], %convert_element_type3A_412 {strides = array<i32>} : memref<153x8192xf32, #tpu.memory_space<vmem>>, vector<153x128xf32>,
    %get3A_416 = arith.constant 42 : index
    %get3A_417 = arith.constant 0 : index
    %get3A_418 = vector.load %arg1[%get3A_416, %get3A_417] : memref<64x128xi32, #tpu.memory_space<vmem>>, vector<1x128xi32>
    %eq3A_419 = vector.broadcast %get3A_418 : vector<1x128xi32> to vector<153x128xi32>
    %eq3A_420 = arith.cmpi eq, %eq3A_419, %iota3A : vector<153x128xi32>
    %convert_element_type3A_421 = arith.extui %eq3A_420 : vector<153x128xi1> to vector<153x128xi32>
    %convert_element_type3A_422 = arith.sitofp %convert_element_type3A_421 : vector<153x128xi32> to vector<153x128xf32>
    %swap3A_423 = arith.constant 0 : index
    %swap3A_424 = arith.constant 5376 : index
    %swap3A_425 = vector.load %arg2[%swap3A_423, %swap3A_424] : memref<153x8192xf32, #tpu.memory_space<vmem>>, vector<153x128xf32>
    tpu.vector_store %arg2[%swap3A_423, %swap3A_424], %convert_element_type3A_422 {strides = array<i32>} : memref<153x8192xf32, #tpu.memory_space<vmem>>, vector<153x128xf32>,
    %get3A_426 = arith.constant 43 : index
    %get3A_427 = arith.constant 0 : index
    %get3A_428 = vector.load %arg1[%get3A_426, %get3A_427] : memref<64x128xi32, #tpu.memory_space<vmem>>, vector<1x128xi32>
    %eq3A_429 = vector.broadcast %get3A_428 : vector<1x128xi32> to vector<153x128xi32>
    %eq3A_430 = arith.cmpi eq, %eq3A_429, %iota3A : vector<153x128xi32>
    %convert_element_type3A_431 = arith.extui %eq3A_430 : vector<153x128xi1> to vector<153x128xi32>
    %convert_element_type3A_432 = arith.sitofp %convert_element_type3A_431 : vector<153x128xi32> to vector<153x128xf32>
    %swap3A_433 = arith.constant 0 : index
    %swap3A_434 = arith.constant 5504 : index
    %swap3A_435 = vector.load %arg2[%swap3A_433, %swap3A_434] : memref<153x8192xf32, #tpu.memory_space<vmem>>, vector<153x128xf32>
    tpu.vector_store %arg2[%swap3A_433, %swap3A_434], %convert_element_type3A_432 {strides = array<i32>} : memref<153x8192xf32, #tpu.memory_space<vmem>>, vector<153x128xf32>,
    %get3A_436 = arith.constant 44 : index
    %get3A_437 = arith.constant 0 : index
    %get3A_438 = vector.load %arg1[%get3A_436, %get3A_437] : memref<64x128xi32, #tpu.memory_space<vmem>>, vector<1x128xi32>
    %eq3A_439 = vector.broadcast %get3A_438 : vector<1x128xi32> to vector<153x128xi32>
    %eq3A_440 = arith.cmpi eq, %eq3A_439, %iota3A : vector<153x128xi32>
    %convert_element_type3A_441 = arith.extui %eq3A_440 : vector<153x128xi1> to vector<153x128xi32>
    %convert_element_type3A_442 = arith.sitofp %convert_element_type3A_441 : vector<153x128xi32> to vector<153x128xf32>
    %swap3A_443 = arith.constant 0 : index
    %swap3A_444 = arith.constant 5632 : index
    %swap3A_445 = vector.load %arg2[%swap3A_443, %swap3A_444] : memref<153x8192xf32, #tpu.memory_space<vmem>>, vector<153x128xf32>
    tpu.vector_store %arg2[%swap3A_443, %swap3A_444], %convert_element_type3A_442 {strides = array<i32>} : memref<153x8192xf32, #tpu.memory_space<vmem>>, vector<153x128xf32>,
    %get3A_446 = arith.constant 45 : index
    %get3A_447 = arith.constant 0 : index
    %get3A_448 = vector.load %arg1[%get3A_446, %get3A_447] : memref<64x128xi32, #tpu.memory_space<vmem>>, vector<1x128xi32>
    %eq3A_449 = vector.broadcast %get3A_448 : vector<1x128xi32> to vector<153x128xi32>
    %eq3A_450 = arith.cmpi eq, %eq3A_449, %iota3A : vector<153x128xi32>
    %convert_element_type3A_451 = arith.extui %eq3A_450 : vector<153x128xi1> to vector<153x128xi32>
    %convert_element_type3A_452 = arith.sitofp %convert_element_type3A_451 : vector<153x128xi32> to vector<153x128xf32>
    %swap3A_453 = arith.constant 0 : index
    %swap3A_454 = arith.constant 5760 : index
    %swap3A_455 = vector.load %arg2[%swap3A_453, %swap3A_454] : memref<153x8192xf32, #tpu.memory_space<vmem>>, vector<153x128xf32>
    tpu.vector_store %arg2[%swap3A_453, %swap3A_454], %convert_element_type3A_452 {strides = array<i32>} : memref<153x8192xf32, #tpu.memory_space<vmem>>, vector<153x128xf32>,
    %get3A_456 = arith.constant 46 : index
    %get3A_457 = arith.constant 0 : index
    %get3A_458 = vector.load %arg1[%get3A_456, %get3A_457] : memref<64x128xi32, #tpu.memory_space<vmem>>, vector<1x128xi32>
    %eq3A_459 = vector.broadcast %get3A_458 : vector<1x128xi32> to vector<153x128xi32>
    %eq3A_460 = arith.cmpi eq, %eq3A_459, %iota3A : vector<153x128xi32>
    %convert_element_type3A_461 = arith.extui %eq3A_460 : vector<153x128xi1> to vector<153x128xi32>
    %convert_element_type3A_462 = arith.sitofp %convert_element_type3A_461 : vector<153x128xi32> to vector<153x128xf32>
    %swap3A_463 = arith.constant 0 : index
    %swap3A_464 = arith.constant 5888 : index
    %swap3A_465 = vector.load %arg2[%swap3A_463, %swap3A_464] : memref<153x8192xf32, #tpu.memory_space<vmem>>, vector<153x128xf32>
    tpu.vector_store %arg2[%swap3A_463, %swap3A_464], %convert_element_type3A_462 {strides = array<i32>} : memref<153x8192xf32, #tpu.memory_space<vmem>>, vector<153x128xf32>,
    %get3A_466 = arith.constant 47 : index
    %get3A_467 = arith.constant 0 : index
    %get3A_468 = vector.load %arg1[%get3A_466, %get3A_467] : memref<64x128xi32, #tpu.memory_space<vmem>>, vector<1x128xi32>
    %eq3A_469 = vector.broadcast %get3A_468 : vector<1x128xi32> to vector<153x128xi32>
    %eq3A_470 = arith.cmpi eq, %eq3A_469, %iota3A : vector<153x128xi32>
    %convert_element_type3A_471 = arith.extui %eq3A_470 : vector<153x128xi1> to vector<153x128xi32>
    %convert_element_type3A_472 = arith.sitofp %convert_element_type3A_471 : vector<153x128xi32> to vector<153x128xf32>
    %swap3A_473 = arith.constant 0 : index
    %swap3A_474 = arith.constant 6016 : index
    %swap3A_475 = vector.load %arg2[%swap3A_473, %swap3A_474] : memref<153x8192xf32, #tpu.memory_space<vmem>>, vector<153x128xf32>
    tpu.vector_store %arg2[%swap3A_473, %swap3A_474], %convert_element_type3A_472 {strides = array<i32>} : memref<153x8192xf32, #tpu.memory_space<vmem>>, vector<153x128xf32>,
    %get3A_476 = arith.constant 48 : index
    %get3A_477 = arith.constant 0 : index
    %get3A_478 = vector.load %arg1[%get3A_476, %get3A_477] : memref<64x128xi32, #tpu.memory_space<vmem>>, vector<1x128xi32>
    %eq3A_479 = vector.broadcast %get3A_478 : vector<1x128xi32> to vector<153x128xi32>
    %eq3A_480 = arith.cmpi eq, %eq3A_479, %iota3A : vector<153x128xi32>
    %convert_element_type3A_481 = arith.extui %eq3A_480 : vector<153x128xi1> to vector<153x128xi32>
    %convert_element_type3A_482 = arith.sitofp %convert_element_type3A_481 : vector<153x128xi32> to vector<153x128xf32>
    %swap3A_483 = arith.constant 0 : index
    %swap3A_484 = arith.constant 6144 : index
    %swap3A_485 = vector.load %arg2[%swap3A_483, %swap3A_484] : memref<153x8192xf32, #tpu.memory_space<vmem>>, vector<153x128xf32>
    tpu.vector_store %arg2[%swap3A_483, %swap3A_484], %convert_element_type3A_482 {strides = array<i32>} : memref<153x8192xf32, #tpu.memory_space<vmem>>, vector<153x128xf32>,
    %get3A_486 = arith.constant 49 : index
    %get3A_487 = arith.constant 0 : index
    %get3A_488 = vector.load %arg1[%get3A_486, %get3A_487] : memref<64x128xi32, #tpu.memory_space<vmem>>, vector<1x128xi32>
    %eq3A_489 = vector.broadcast %get3A_488 : vector<1x128xi32> to vector<153x128xi32>
    %eq3A_490 = arith.cmpi eq, %eq3A_489, %iota3A : vector<153x128xi32>
    %convert_element_type3A_491 = arith.extui %eq3A_490 : vector<153x128xi1> to vector<153x128xi32>
    %convert_element_type3A_492 = arith.sitofp %convert_element_type3A_491 : vector<153x128xi32> to vector<153x128xf32>
    %swap3A_493 = arith.constant 0 : index
    %swap3A_494 = arith.constant 6272 : index
    %swap3A_495 = vector.load %arg2[%swap3A_493, %swap3A_494] : memref<153x8192xf32, #tpu.memory_space<vmem>>, vector<153x128xf32>
    tpu.vector_store %arg2[%swap3A_493, %swap3A_494], %convert_element_type3A_492 {strides = array<i32>} : memref<153x8192xf32, #tpu.memory_space<vmem>>, vector<153x128xf32>,
    %get3A_496 = arith.constant 50 : index
    %get3A_497 = arith.constant 0 : index
    %get3A_498 = vector.load %arg1[%get3A_496, %get3A_497] : memref<64x128xi32, #tpu.memory_space<vmem>>, vector<1x128xi32>
    %eq3A_499 = vector.broadcast %get3A_498 : vector<1x128xi32> to vector<153x128xi32>
    %eq3A_500 = arith.cmpi eq, %eq3A_499, %iota3A : vector<153x128xi32>
    %convert_element_type3A_501 = arith.extui %eq3A_500 : vector<153x128xi1> to vector<153x128xi32>
    %convert_element_type3A_502 = arith.sitofp %convert_element_type3A_501 : vector<153x128xi32> to vector<153x128xf32>
    %swap3A_503 = arith.constant 0 : index
    %swap3A_504 = arith.constant 6400 : index
    %swap3A_505 = vector.load %arg2[%swap3A_503, %swap3A_504] : memref<153x8192xf32, #tpu.memory_space<vmem>>, vector<153x128xf32>
    tpu.vector_store %arg2[%swap3A_503, %swap3A_504], %convert_element_type3A_502 {strides = array<i32>} : memref<153x8192xf32, #tpu.memory_space<vmem>>, vector<153x128xf32>,
    %get3A_506 = arith.constant 51 : index
    %get3A_507 = arith.constant 0 : index
    %get3A_508 = vector.load %arg1[%get3A_506, %get3A_507] : memref<64x128xi32, #tpu.memory_space<vmem>>, vector<1x128xi32>
    %eq3A_509 = vector.broadcast %get3A_508 : vector<1x128xi32> to vector<153x128xi32>
    %eq3A_510 = arith.cmpi eq, %eq3A_509, %iota3A : vector<153x128xi32>
    %convert_element_type3A_511 = arith.extui %eq3A_510 : vector<153x128xi1> to vector<153x128xi32>
    %convert_element_type3A_512 = arith.sitofp %convert_element_type3A_511 : vector<153x128xi32> to vector<153x128xf32>
    %swap3A_513 = arith.constant 0 : index
    %swap3A_514 = arith.constant 6528 : index
    %swap3A_515 = vector.load %arg2[%swap3A_513, %swap3A_514] : memref<153x8192xf32, #tpu.memory_space<vmem>>, vector<153x128xf32>
    tpu.vector_store %arg2[%swap3A_513, %swap3A_514], %convert_element_type3A_512 {strides = array<i32>} : memref<153x8192xf32, #tpu.memory_space<vmem>>, vector<153x128xf32>,
    %get3A_516 = arith.constant 52 : index
    %get3A_517 = arith.constant 0 : index
    %get3A_518 = vector.load %arg1[%get3A_516, %get3A_517] : memref<64x128xi32, #tpu.memory_space<vmem>>, vector<1x128xi32>
    %eq3A_519 = vector.broadcast %get3A_518 : vector<1x128xi32> to vector<153x128xi32>
    %eq3A_520 = arith.cmpi eq, %eq3A_519, %iota3A : vector<153x128xi32>
    %convert_element_type3A_521 = arith.extui %eq3A_520 : vector<153x128xi1> to vector<153x128xi32>
    %convert_element_type3A_522 = arith.sitofp %convert_element_type3A_521 : vector<153x128xi32> to vector<153x128xf32>
    %swap3A_523 = arith.constant 0 : index
    %swap3A_524 = arith.constant 6656 : index
    %swap3A_525 = vector.load %arg2[%swap3A_523, %swap3A_524] : memref<153x8192xf32, #tpu.memory_space<vmem>>, vector<153x128xf32>
    tpu.vector_store %arg2[%swap3A_523, %swap3A_524], %convert_element_type3A_522 {strides = array<i32>} : memref<153x8192xf32, #tpu.memory_space<vmem>>, vector<153x128xf32>,
    %get3A_526 = arith.constant 53 : index
    %get3A_527 = arith.constant 0 : index
    %get3A_528 = vector.load %arg1[%get3A_526, %get3A_527] : memref<64x128xi32, #tpu.memory_space<vmem>>, vector<1x128xi32>
    %eq3A_529 = vector.broadcast %get3A_528 : vector<1x128xi32> to vector<153x128xi32>
    %eq3A_530 = arith.cmpi eq, %eq3A_529, %iota3A : vector<153x128xi32>
    %convert_element_type3A_531 = arith.extui %eq3A_530 : vector<153x128xi1> to vector<153x128xi32>
    %convert_element_type3A_532 = arith.sitofp %convert_element_type3A_531 : vector<153x128xi32> to vector<153x128xf32>
    %swap3A_533 = arith.constant 0 : index
    %swap3A_534 = arith.constant 6784 : index
    %swap3A_535 = vector.load %arg2[%swap3A_533, %swap3A_534] : memref<153x8192xf32, #tpu.memory_space<vmem>>, vector<153x128xf32>
    tpu.vector_store %arg2[%swap3A_533, %swap3A_534], %convert_element_type3A_532 {strides = array<i32>} : memref<153x8192xf32, #tpu.memory_space<vmem>>, vector<153x128xf32>,
    %get3A_536 = arith.constant 54 : index
    %get3A_537 = arith.constant 0 : index
    %get3A_538 = vector.load %arg1[%get3A_536, %get3A_537] : memref<64x128xi32, #tpu.memory_space<vmem>>, vector<1x128xi32>
    %eq3A_539 = vector.broadcast %get3A_538 : vector<1x128xi32> to vector<153x128xi32>
    %eq3A_540 = arith.cmpi eq, %eq3A_539, %iota3A : vector<153x128xi32>
    %convert_element_type3A_541 = arith.extui %eq3A_540 : vector<153x128xi1> to vector<153x128xi32>
    %convert_element_type3A_542 = arith.sitofp %convert_element_type3A_541 : vector<153x128xi32> to vector<153x128xf32>
    %swap3A_543 = arith.constant 0 : index
    %swap3A_544 = arith.constant 6912 : index
    %swap3A_545 = vector.load %arg2[%swap3A_543, %swap3A_544] : memref<153x8192xf32, #tpu.memory_space<vmem>>, vector<153x128xf32>
    tpu.vector_store %arg2[%swap3A_543, %swap3A_544], %convert_element_type3A_542 {strides = array<i32>} : memref<153x8192xf32, #tpu.memory_space<vmem>>, vector<153x128xf32>,
    %get3A_546 = arith.constant 55 : index
    %get3A_547 = arith.constant 0 : index
    %get3A_548 = vector.load %arg1[%get3A_546, %get3A_547] : memref<64x128xi32, #tpu.memory_space<vmem>>, vector<1x128xi32>
    %eq3A_549 = vector.broadcast %get3A_548 : vector<1x128xi32> to vector<153x128xi32>
    %eq3A_550 = arith.cmpi eq, %eq3A_549, %iota3A : vector<153x128xi32>
    %convert_element_type3A_551 = arith.extui %eq3A_550 : vector<153x128xi1> to vector<153x128xi32>
    %convert_element_type3A_552 = arith.sitofp %convert_element_type3A_551 : vector<153x128xi32> to vector<153x128xf32>
    %swap3A_553 = arith.constant 0 : index
    %swap3A_554 = arith.constant 7040 : index
    %swap3A_555 = vector.load %arg2[%swap3A_553, %swap3A_554] : memref<153x8192xf32, #tpu.memory_space<vmem>>, vector<153x128xf32>
    tpu.vector_store %arg2[%swap3A_553, %swap3A_554], %convert_element_type3A_552 {strides = array<i32>} : memref<153x8192xf32, #tpu.memory_space<vmem>>, vector<153x128xf32>,
    %get3A_556 = arith.constant 56 : index
    %get3A_557 = arith.constant 0 : index
    %get3A_558 = vector.load %arg1[%get3A_556, %get3A_557] : memref<64x128xi32, #tpu.memory_space<vmem>>, vector<1x128xi32>
    %eq3A_559 = vector.broadcast %get3A_558 : vector<1x128xi32> to vector<153x128xi32>
    %eq3A_560 = arith.cmpi eq, %eq3A_559, %iota3A : vector<153x128xi32>
    %convert_element_type3A_561 = arith.extui %eq3A_560 : vector<153x128xi1> to vector<153x128xi32>
    %convert_element_type3A_562 = arith.sitofp %convert_element_type3A_561 : vector<153x128xi32> to vector<153x128xf32>
    %swap3A_563 = arith.constant 0 : index
    %swap3A_564 = arith.constant 7168 : index
    %swap3A_565 = vector.load %arg2[%swap3A_563, %swap3A_564] : memref<153x8192xf32, #tpu.memory_space<vmem>>, vector<153x128xf32>
    tpu.vector_store %arg2[%swap3A_563, %swap3A_564], %convert_element_type3A_562 {strides = array<i32>} : memref<153x8192xf32, #tpu.memory_space<vmem>>, vector<153x128xf32>,
    %get3A_566 = arith.constant 57 : index
    %get3A_567 = arith.constant 0 : index
    %get3A_568 = vector.load %arg1[%get3A_566, %get3A_567] : memref<64x128xi32, #tpu.memory_space<vmem>>, vector<1x128xi32>
    %eq3A_569 = vector.broadcast %get3A_568 : vector<1x128xi32> to vector<153x128xi32>
    %eq3A_570 = arith.cmpi eq, %eq3A_569, %iota3A : vector<153x128xi32>
    %convert_element_type3A_571 = arith.extui %eq3A_570 : vector<153x128xi1> to vector<153x128xi32>
    %convert_element_type3A_572 = arith.sitofp %convert_element_type3A_571 : vector<153x128xi32> to vector<153x128xf32>
    %swap3A_573 = arith.constant 0 : index
    %swap3A_574 = arith.constant 7296 : index
    %swap3A_575 = vector.load %arg2[%swap3A_573, %swap3A_574] : memref<153x8192xf32, #tpu.memory_space<vmem>>, vector<153x128xf32>
    tpu.vector_store %arg2[%swap3A_573, %swap3A_574], %convert_element_type3A_572 {strides = array<i32>} : memref<153x8192xf32, #tpu.memory_space<vmem>>, vector<153x128xf32>,
    %get3A_576 = arith.constant 58 : index
    %get3A_577 = arith.constant 0 : index
    %get3A_578 = vector.load %arg1[%get3A_576, %get3A_577] : memref<64x128xi32, #tpu.memory_space<vmem>>, vector<1x128xi32>
    %eq3A_579 = vector.broadcast %get3A_578 : vector<1x128xi32> to vector<153x128xi32>
    %eq3A_580 = arith.cmpi eq, %eq3A_579, %iota3A : vector<153x128xi32>
    %convert_element_type3A_581 = arith.extui %eq3A_580 : vector<153x128xi1> to vector<153x128xi32>
    %convert_element_type3A_582 = arith.sitofp %convert_element_type3A_581 : vector<153x128xi32> to vector<153x128xf32>
    %swap3A_583 = arith.constant 0 : index
    %swap3A_584 = arith.constant 7424 : index
    %swap3A_585 = vector.load %arg2[%swap3A_583, %swap3A_584] : memref<153x8192xf32, #tpu.memory_space<vmem>>, vector<153x128xf32>
    tpu.vector_store %arg2[%swap3A_583, %swap3A_584], %convert_element_type3A_582 {strides = array<i32>} : memref<153x8192xf32, #tpu.memory_space<vmem>>, vector<153x128xf32>,
    %get3A_586 = arith.constant 59 : index
    %get3A_587 = arith.constant 0 : index
    %get3A_588 = vector.load %arg1[%get3A_586, %get3A_587] : memref<64x128xi32, #tpu.memory_space<vmem>>, vector<1x128xi32>
    %eq3A_589 = vector.broadcast %get3A_588 : vector<1x128xi32> to vector<153x128xi32>
    %eq3A_590 = arith.cmpi eq, %eq3A_589, %iota3A : vector<153x128xi32>
    %convert_element_type3A_591 = arith.extui %eq3A_590 : vector<153x128xi1> to vector<153x128xi32>
    %convert_element_type3A_592 = arith.sitofp %convert_element_type3A_591 : vector<153x128xi32> to vector<153x128xf32>
    %swap3A_593 = arith.constant 0 : index
    %swap3A_594 = arith.constant 7552 : index
    %swap3A_595 = vector.load %arg2[%swap3A_593, %swap3A_594] : memref<153x8192xf32, #tpu.memory_space<vmem>>, vector<153x128xf32>
    tpu.vector_store %arg2[%swap3A_593, %swap3A_594], %convert_element_type3A_592 {strides = array<i32>} : memref<153x8192xf32, #tpu.memory_space<vmem>>, vector<153x128xf32>,
    %get3A_596 = arith.constant 60 : index
    %get3A_597 = arith.constant 0 : index
    %get3A_598 = vector.load %arg1[%get3A_596, %get3A_597] : memref<64x128xi32, #tpu.memory_space<vmem>>, vector<1x128xi32>
    %eq3A_599 = vector.broadcast %get3A_598 : vector<1x128xi32> to vector<153x128xi32>
    %eq3A_600 = arith.cmpi eq, %eq3A_599, %iota3A : vector<153x128xi32>
    %convert_element_type3A_601 = arith.extui %eq3A_600 : vector<153x128xi1> to vector<153x128xi32>
    %convert_element_type3A_602 = arith.sitofp %convert_element_type3A_601 : vector<153x128xi32> to vector<153x128xf32>
    %swap3A_603 = arith.constant 0 : index
    %swap3A_604 = arith.constant 7680 : index
    %swap3A_605 = vector.load %arg2[%swap3A_603, %swap3A_604] : memref<153x8192xf32, #tpu.memory_space<vmem>>, vector<153x128xf32>
    tpu.vector_store %arg2[%swap3A_603, %swap3A_604], %convert_element_type3A_602 {strides = array<i32>} : memref<153x8192xf32, #tpu.memory_space<vmem>>, vector<153x128xf32>,
    %get3A_606 = arith.constant 61 : index
    %get3A_607 = arith.constant 0 : index
    %get3A_608 = vector.load %arg1[%get3A_606, %get3A_607] : memref<64x128xi32, #tpu.memory_space<vmem>>, vector<1x128xi32>
    %eq3A_609 = vector.broadcast %get3A_608 : vector<1x128xi32> to vector<153x128xi32>
    %eq3A_610 = arith.cmpi eq, %eq3A_609, %iota3A : vector<153x128xi32>
    %convert_element_type3A_611 = arith.extui %eq3A_610 : vector<153x128xi1> to vector<153x128xi32>
    %convert_element_type3A_612 = arith.sitofp %convert_element_type3A_611 : vector<153x128xi32> to vector<153x128xf32>
    %swap3A_613 = arith.constant 0 : index
    %swap3A_614 = arith.constant 7808 : index
    %swap3A_615 = vector.load %arg2[%swap3A_613, %swap3A_614] : memref<153x8192xf32, #tpu.memory_space<vmem>>, vector<153x128xf32>
    tpu.vector_store %arg2[%swap3A_613, %swap3A_614], %convert_element_type3A_612 {strides = array<i32>} : memref<153x8192xf32, #tpu.memory_space<vmem>>, vector<153x128xf32>,
    %get3A_616 = arith.constant 62 : index
    %get3A_617 = arith.constant 0 : index
    %get3A_618 = vector.load %arg1[%get3A_616, %get3A_617] : memref<64x128xi32, #tpu.memory_space<vmem>>, vector<1x128xi32>
    %eq3A_619 = vector.broadcast %get3A_618 : vector<1x128xi32> to vector<153x128xi32>
    %eq3A_620 = arith.cmpi eq, %eq3A_619, %iota3A : vector<153x128xi32>
    %convert_element_type3A_621 = arith.extui %eq3A_620 : vector<153x128xi1> to vector<153x128xi32>
    %convert_element_type3A_622 = arith.sitofp %convert_element_type3A_621 : vector<153x128xi32> to vector<153x128xf32>
    %swap3A_623 = arith.constant 0 : index
    %swap3A_624 = arith.constant 7936 : index
    %swap3A_625 = vector.load %arg2[%swap3A_623, %swap3A_624] : memref<153x8192xf32, #tpu.memory_space<vmem>>, vector<153x128xf32>
    tpu.vector_store %arg2[%swap3A_623, %swap3A_624], %convert_element_type3A_622 {strides = array<i32>} : memref<153x8192xf32, #tpu.memory_space<vmem>>, vector<153x128xf32>,
    %get3A_626 = arith.constant 63 : index
    %get3A_627 = arith.constant 0 : index
    %get3A_628 = vector.load %arg1[%get3A_626, %get3A_627] : memref<64x128xi32, #tpu.memory_space<vmem>>, vector<1x128xi32>
    %eq3A_629 = vector.broadcast %get3A_628 : vector<1x128xi32> to vector<153x128xi32>
    %eq3A_630 = arith.cmpi eq, %eq3A_629, %iota3A : vector<153x128xi32>
    %convert_element_type3A_631 = arith.extui %eq3A_630 : vector<153x128xi1> to vector<153x128xi32>
    %convert_element_type3A_632 = arith.sitofp %convert_element_type3A_631 : vector<153x128xi32> to vector<153x128xf32>
    %swap3A_633 = arith.constant 0 : index
    %swap3A_634 = arith.constant 8064 : index
    %swap3A_635 = vector.load %arg2[%swap3A_633, %swap3A_634] : memref<153x8192xf32, #tpu.memory_space<vmem>>, vector<153x128xf32>
    tpu.vector_store %arg2[%swap3A_633, %swap3A_634], %convert_element_type3A_632 {strides = array<i32>} : memref<153x8192xf32, #tpu.memory_space<vmem>>, vector<153x128xf32>,
    return
  }
  func.func @transform_0(%arg0: i32) -> (i32, i32) {
    %c0_i32 = arith.constant 0 : i32
    %c0_i32_0 = arith.constant 0 : i32
    return %arg0, %c0_i32 : i32, i32
  }
  func.func @transform_1(%arg0: i32) -> (i32, i32) {
    %c0_i32 = arith.constant 0 : i32
    %c0_i32_0 = arith.constant 0 : i32
    return %c0_i32, %arg0 : i32, i32
  }
}

</mosaic_0001>

<sc_bundles>
// kernel: kernel.4.cloned.1.call-start
scs
__scs_entry_jumppad:
0x0: {  	(pc) =	sbr.rel $0x88, $3  }
0x1: {  	(tag) =	ssettag $0x0;
	lr =	simm.s32 $0x1  }
0x2: {  	[smem:$0x3F9D] =	sst lr;
	_ =	strace $0xD0000000  }
0x3: {  	_ = 	snop  }
0x4: {  	_ = 	snop  }
0x5: {  	_ = 	snop  }
0x6: {  	_ = 	snop  }
0x7: {  	_ = 	snop  }
__scs_overlays_trampoline_lowered:
0x8: {  	[smem:$0x3FAC] =	sst s0  }
0x9: {  	[smem:$0x3FAD] =	sst s1  }
0xa: {  	[smem:$0x3FAE] =	sst s2  }
0xb: {  	[smem:$0x3FAF] =	sst s3  }
0xc: {  	[smem:$0x3FB0] =	sst s4  }
0xd: {  	[smem:$0x3FB1] =	sst s5  }
0xe: {  	[smem:$0x3FB2] =	sst s6  }
0xf: {  	[smem:$0x3FB3] =	sst s7  }
0x10: {  	[smem:$0x3FB4] =	sst s8  }
0x11: {  	[smem:$0x3FB5] =	sst s9;
	s0 =	simm.s32 @!p0 $0x0  }
0x12: {  	s1 =	sld [smem:$0x3F9B];
	s0 =	simm.s32 @p0 $0x1  }
0x13: {  	[smem:$0x3FB6] =	sst s0;
	s0 =	simm.s32 @!p1 $0x0  }
0x14: {  	s2 =	sld [smem:$0x3F9A];
	s0 =	simm.s32 @p1 $0x1  }
0x15: {  	[smem:$0x3FB7] =	sst s0;
	s0 =	simm.s32 @!p2 $0x0  }
0x16: {  	s3 =	sld [smem:$0x3FDB];
	s0 =	simm.s32 @p2 $0x1  }
0x17: {  	s4 =	simm.s32 $0x1BF5;
	[smem:$0x3FB9] =	sst s0  }
0x18: {  	s0 =	sld [smem:$0x3F9C];
	_ =	swait.ge [sflag:s4], $0x0  }
0x19: {  	s7 =	sld [smem:$0x3F9D]  }
0x1a: {  	s8 =	sadd.s32 $0xFFFFE003, lr  }
0x1b: {  	s9 =	sadd.s32 $0xFFFFFEF7, lr;
	s5 =	simm.s32 $0xFFFFFFFF;
	p2 =	slt.u32 s8, $0xFFFFF086  }
0x1c: {  	p1 =	slt.u32 s9, $0xF7A;
	s5 =	simm.s32 @!p2 $0x0  }
0x1d: {  	s5 =	simm.s32 @p1 $0x1;
	p0 =	seq.s32 s7, s2  }
0x1e: {  	s7 =	smul.u32 @!p0 $0xF7A, s2;
	p2 =	seq.s32 @!p0 s5, $0x0  }
0x1f: {  	s9 =	smul.u32 $0xF7A, s1;
	s8 =	simm.s32 @!p0 $0x1BF5;
	p2 =	por !p2, p0  }
0x20: {  	[sflag:s8] =	ssyncset.s32 @!p0 $0xFFFFF086;
	s6 =	sadd.s32 @!p0 s3, s7;
	s7 =	simm.s32 @!p0 $0x108  }
0x21: {  	s3 =	sadd.s32 s3, s9;
	s6 =	sadd.s32 @!p0 $0x88, s6;
	s7 =	simm.s32 @p2 $0x1082  }
0x22: {  	[simem:s7], [sflag:s8] =	dma.local @!p0 [hbm:s6], $0xF7A  }
0x23: {  	s9 =	sor.u32 $0xD0000000, s2;
	s6 =	simm.s32 $0x108;
	_ =	swait.ge @!p0 [sflag:s8], $0x0  }
0x24: {  	s3 =	sadd.s32 $0x88, s3;
	s6 =	simm.s32 @!p1 $0x1082;
	[sflag:s4] =	ssyncset.s32 $0xFFFFF086  }
0x25: {  	[simem:s6], [sflag:s4] =	dma.local [hbm:s3], $0xF7A  }
0x26: {  	[smem:$0x3F9D] =	sst s1;
	(tag) =	ssettag s2;
	_ =	strace s9  }
0x27: {  	s1 =	sld [smem:$0x3FAD]  }
0x28: {  	s2 =	sld [smem:$0x3FAE]  }
0x29: {  	s4 =	sld [smem:$0x3FB0]  }
0x2a: {  	p0 =	seq.s32 s5, $0x0;
	s5 =	sld [smem:$0x3FB1]  }
0x2b: {  	s6 =	sld [smem:$0x3FB2]  }
0x2c: {  	s7 =	sld [smem:$0x3FB3]  }
0x2d: {  	s3 =	simm.s32 $0x108;
	s8 =	sld [smem:$0x3FB4]  }
0x2e: {  	s3 =	simm.s32 @!p0 $0x1082;
	s9 =	sld [smem:$0x3FB5]  }
0x2f: {  	lr =	sadd.s32 s0, s3;
	s0 =	sld [smem:$0x3FAC]  }
0x30: {  	s3 =	sld [smem:$0x3FAF]  }
0x31: {  	[smem:$0x3FB8] =	sst s10  }
0x32: {  	s10 =	sld [smem:$0x3FB6];
	_ =	sdelay $0x3  }
0x33: {  	p0 =	seq.s32 s10, $0x1;
	s10 =	sld [smem:$0x3FB8];
	_ =	sdelay $0x3  }
0x34: {  	[smem:$0x3FB8] =	sst s10  }
0x35: {  	s10 =	sld [smem:$0x3FB7];
	_ =	sdelay $0x3  }
0x36: {  	p1 =	seq.s32 s10, $0x1;
	s10 =	sld [smem:$0x3FB8];
	_ =	sdelay $0x3  }
0x37: {  	[smem:$0x3FB8] =	sst s10  }
0x38: {  	s10 =	sld [smem:$0x3FB9]  }
0x39: {  	_ = 	snop;
	(pc) =	sbr.ind lr, $3  }
0x3a: {  	_ = 	snop  }
0x3b: {  	_ = 	snop  }
0x3c: {  	p2 =	seq.s32 s10, $0x1;
	s10 =	sld [smem:$0x3FB8]  }
0x3d: {  	_ =	shalt  }
0x3e: {  	_ =	shalt  }
0x3f: {  	_ =	shalt  }
0x40: {  	_ =	shalt  }
0x41: {  	_ =	shalt  }
0x42: {  	_ =	shalt  }
0x43: {  	_ =	shalt  }
0x44: {  	_ =	shalt  }
0x45: {  	_ =	shalt  }
0x46: {  	_ =	shalt  }
0x47: {  	_ =	shalt  }
0x48: {  	_ =	shalt  }
0x49: {  	_ =	shalt  }
0x4a: {  	_ =	shalt  }
0x4b: {  	_ =	shalt  }
0x4c: {  	_ =	shalt  }
0x4d: {  	_ =	shalt  }
0x4e: {  	_ =	shalt  }
0x4f: {  	_ =	shalt  }
0x50: {  	_ =	shalt  }
0x51: {  	_ =	shalt  }
0x52: {  	_ =	shalt  }
0x53: {  	_ =	shalt  }
0x54: {  	_ =	shalt  }
0x55: {  	_ =	shalt  }
0x56: {  	_ =	shalt  }
0x57: {  	_ =	shalt  }
0x58: {  	_ =	shalt  }
0x59: {  	_ =	shalt  }
0x5a: {  	_ =	shalt  }
0x5b: {  	_ =	shalt  }
0x5c: {  	_ =	shalt  }
0x5d: {  	_ =	shalt  }
0x5e: {  	_ =	shalt  }
0x5f: {  	_ =	shalt  }
0x60: {  	_ =	shalt  }
0x61: {  	_ =	shalt  }
0x62: {  	_ =	shalt  }
0x63: {  	_ =	shalt  }
0x64: {  	_ =	shalt  }
0x65: {  	_ =	shalt  }
0x66: {  	_ =	shalt  }
0x67: {  	_ =	shalt  }
0x68: {  	_ =	shalt  }
0x69: {  	_ =	shalt  }
0x6a: {  	_ =	shalt  }
0x6b: {  	_ =	shalt  }
0x6c: {  	_ =	shalt  }
0x6d: {  	_ =	shalt  }
0x6e: {  	_ =	shalt  }
0x6f: {  	_ =	shalt  }
0x70: {  	_ =	shalt  }
0x71: {  	_ =	shalt  }
0x72: {  	_ =	shalt  }
0x73: {  	_ =	shalt  }
0x74: {  	_ =	shalt  }
0x75: {  	_ =	shalt  }
0x76: {  	_ =	shalt  }
0x77: {  	_ =	shalt  }
0x78: {  	_ =	shalt  }
0x79: {  	_ =	shalt  }
0x7a: {  	_ =	shalt  }
0x7b: {  	_ =	shalt  }
0x7c: {  	_ =	shalt  }
0x7d: {  	_ =	shalt  }
0x7e: {  	_ =	shalt  }
0x7f: {  	_ =	shalt  }
0x80: {  	_ =	shalt  }
0x81: {  	_ =	shalt  }
0x82: {  	_ =	shalt  }
0x83: {  	_ =	shalt  }
0x84: {  	_ =	shalt  }
0x85: {  	_ =	shalt  }
0x86: {  	_ =	shalt  }
0x87: {  	_ =	shalt  }
.Lfunc_end0:
.L_simem_size_0:
called_computation_lowered:
.L_overlay_start_0:
0x88: {  	s2 =	sld [smem:$0x3FD9]  }
0x89: {  	s3 =	sld [smem:$0x3FFE];
	_ =	sdelay $0x1  }
0x8a: {  	s1 =	srdreg.scid  }
0x8b: {  	s0 =	sand.u32 $0x1, s1  }
0x8c: {  	s17 =	sshll.u32 s0, $0xA;
	s2 =	sadd.s32 s3, s2  }
0x8d: {  	s2 =	sadd.s32 s2, s17  }
0x8e: {  	[smem:$0x3FC4] =	sst s2  }
0x8f: {  	_ = 	snop  }
0x90: {  	s2 =	sld [smem:$0x3FC9]  }
0x91: {  	s18 =	sld [smem:$0x3FC8]  }
0x92: {  	s4 =	sld [smem:$0x3FC7]  }
0x93: {  	s5 =	sld [smem:$0x3FD0];
	(tm) =	ssettm $0x1  }
0x94: {  	s6 =	sld [smem:$0x3FFB];
	_ =	sdelay $0x3  }
0x95: {  	_ =	strace s6  }
0x96: {  	s6 =	sld [smem:$0x3FFC];
	_ =	sdelay $0x3  }
0x97: {  	_ =	strace s6  }
0x98: {  	s6 =	sld [smem:$0x3FFD];
	_ =	sdelay $0x3  }
0x99: {  	_ =	strace s6  }
0x9a: {  	_ =	strace $0x8FFFFFFF  }
0x9b: {  	s19 =	sld [smem:$0x3FDB];
	_ =	sdelay $0x1  }
0x9c: {  	s7 =	simm.s32 $_scs_section_size  }
0x9d: {  	s8 =	simm.s32 $_size__tile_overlayer_lowered;
	s9 =	simm.s32 $_tile_overlayer_lowered  }
0x9e: {  	s22 =	simm.s32 $0x1BFF;
	s21 =	sshll.u32 s9, $0x1;
	s6 =	sadd.s32 s7, s19  }
0x9f: {  	s10 =	simm.s32 $0x0;
	s20 =	sshll.u32 s8, $0x1;
	s8 =	sadd.s32 s21, s6  }
0xa0: {  	[timem:s10], [sflag:s22] =	dma.local [hbm:s8], s20  }
0xa1: {  	_ =	swait.ge [sflag:s22], s20  }
0xa2: {  	s7 =	ssub.s32 $0x0, s20;
	[sflag:s22] =	ssyncset.done $0x0  }
0xa3: {  	[sflag:s22] =	ssyncadd.s32 s7;
	_ =	sdelay $0x1  }
0xa4: {  	s23 =	simm.s32 $0x1B8B  }
0xa5: {  	_ =	swait.ge [sflag:s23], $0x1  }
0xa6: {  	[sflag:s23] =	ssyncset.done $0x0  }
0xa7: {  	s25 =	simm.s32 $0x1B8E;
	s24 =	sld [smem:$0x3FFE];
	[sflag:s23] =	ssyncadd.s32 $0xFFFFFFFF  }
0xa8: {  	s26 =	simm.s32 $execute0_lowered;
	[smem:$0x3FD2] =	sst s25  }
0xa9: {  	s8 =	sshll.u32 s26, $0x1;
	_ =	strace $0x80000046;
	[dreg:$0x1] =	wrdreg $0xFFFFFFFF  }
0xaa: {  	s28 =	simm.s32 $_size_execute0_lowered;
	s6 =	sadd.s32 s6, s8;
	[dreg:$0x0] =	wrdreg $0x0  }
0xab: {  	s8 =	sshll.u32 s28, $0x1;
	[dreg:$0x2] =	wrdreg s6  }
0xac: {  	[dreg:$0x3] =	wrdreg s8  }
0xad: {  	[dreg:$0x4] =	wrdreg $0xC0  }
0xae: {  	_ =	task [dreg:s10], $0x5FFFF  }
0xaf: {  	[dreg:$0x1] =	wrdreg $0xFFFFFFFF  }
0xb0: {  	[dreg:$0x0] =	wrdreg $0x60  }
0xb1: {  	[dreg:$0x2] =	wrdreg s2  }
0xb2: {  	[dreg:$0x3] =	wrdreg s18  }
0xb3: {  	[dreg:$0x4] =	wrdreg s4  }
0xb4: {  	[dreg:$0x5] =	wrdreg s24  }
0xb5: {  	[dreg:$0x6] =	wrdreg s5  }
0xb6: {  	[dreg:$0x7] =	wrdreg $0x9  }
0xb7: {  	_ =	task.clear_ibuf [dreg:s10], $0x8FFFF;
	_ =	strace $0x90000046  }
0xb8: {  	s29 =	simm.s32 $0x9;
	_ =	strace $0x80000048  }
0xb9: {  	_ =	swait.ge [sflag:s29], $0x1  }
0xba: {  	[sflag:s29] =	ssyncadd.s32 $0xFFFFFFFF  }
0xbb: {  	_ =	strace $0x90000048  }
0xbc: {  	_ =	sfence  }
0xbd: {  	s30 =	sld [smem:$0x0];
	_ =	sdelay $0x2  }
0xbe: {  	s31 =	sshll.u32 s1, $0xD;
	s1 =	sshrl.u32 s1, $0x2  }
0xbf: {  	s3 =	sand.u32 $0x4000, s31;
	s1 =	sadd.s32 s1, s30  }
0xc0: {  	s0 =	sor.u32 s3, s0;
	s1 =	sshll.u32 s1, $0x11  }
0xc1: {  	s0 =	sor.u32 s1, s0  }
0xc2: {  	s0 =	sadd.s32 $0x8F2B, s0  }
0xc3: {  	[sflag:s0] =	ssyncadd.remote.s32 $0x1  }
0xc4: {  	_ =	sfence.sel $0xFFFF  }
0xc5: {  	[dreg:$0x0] =	wrdreg $0xFFFFFFFF;
	(pc) =	sbr.abs _section_cstart, $3  }
0xc6: {  	[dreg:$0x1] =	wrdreg $0xFFFFFFFF  }
0xc7: {  	_ =	task.clear_ibuf [dreg:s10], $0x2FFFF;
	_ =	strace $0x9FFFFFFF  }
0xc8: {  	(tm) =	ssettm $0x7FFFFFFF  }
0xc9: {  	_ =	shalt  }
tec
execute0_lowered:
.L_overlay_start_1:
0x0: {  	(tag) =	ssettag $0x1  }
0x1: {  	s5 =	rddreg [dreg:$0x0]  }
0x2: {  	s6 =	rddreg [dreg:$0x1]  }
0x3: {  	s1 =	rddreg [dreg:$0x2]  }
0x4: {  	s4 =	rddreg [dreg:$0x3]  }
0x5: {  	s2 =	srdreg.scid;
	s0 =	stileid.u32  }
0x6: {  	s7 =	rddreg [dreg:$0x4];
	s3 =	simm.s32 $0x0;
	s11 =	simm.s32 $0x1400  }
0x7: {  	s12 =	simm.s32 $0x1;
	s13 =	simm.s32 $0x2800;
	s14 =	simm.s32 $0x2  }
0x8: {  	s15 =	simm.s32 $0x0;
	s8 =	sand.u32 $0x1, s2;
	s9 =	sshll.u32 s0, $0x1  }
0x9: {  	s2 =	rddreg [dreg:$0x5];
	s9 =	sor.u32 s8, s9;
	s8 =	ssub.s32 $0x2, s8  }
0xa: {  	[smem:$0x7FF] =	sst s3;
	s9 =	smul.u32 $0x271, s9;
	s10 =	sshrl.u32 s8, $0x1  }
0xb: {  	s4 =	sadd.s32 $0x600, s4;
	_ =	strace $0x80000047;
	s8 =	ssub.s32 s8, s10  }
0xc: {  	s10 =	simm.s32 $0x3C80;
	s5 =	sadd.s32 s5, s9;
	s6 =	sadd.s32 s6, s9  }
0xd: {  	v0 =	vimm.s32 $0x1;
	s7 =	sadd.s32 s7, s9;
	s8 =	smax.u32 s8, $0x1;
	s9 =	simm.s32 $0x3C00  }
.LBB2_1:
0xe: {  	[tilespmem:$0x1380] =	vst v0  }
0xf: {  	[tilespmem:$0x2780] =	vst v0  }
0x10: {  	[tilespmem:s9], [sflag:$0x1] =	stream.linear.gather [hbm4b:s1+s3], $0x80, $0x38;
	[tilespmem:$0x3E00] =	vst v63  }
0x11: {  	_ = 	snop  }
0x12: {  	[tilespmem:s10], [sflag:$0x1] =	stream.linear.gather [hbm4b:s4+s3], $0x180, $0x38;
	[tilespmem:$0x3E00] =	vst v63  }
0x13: {  	_ = 	snop  }
0x14: {  	[tilespmem:s3], [sflag:$0x1] =	stream.linear.gather [hbm4b:s5+s3], $0x1388, $0x38;
	[tilespmem:$0x3E00] =	vst v63  }
0x15: {  	_ = 	snop  }
0x16: {  	[tilespmem:s11], [sflag:$0x1] =	stream.linear.gather [hbm4b:s6+s3], $0x1388, $0x38;
	[tilespmem:$0x3E00] =	vst v63  }
0x17: {  	_ =	swait.ge [sflag:s12], $0x80  }
0x18: {  	[sflag:s12] =	ssyncset.done $0x0  }
0x19: {  	[sflag:s12] =	ssyncadd.s32 $0xFFFFFF80  }
0x1a: {  	_ =	swait.ge [sflag:s12], $0x180  }
0x1b: {  	[sflag:s12] =	ssyncset.done $0x0  }
0x1c: {  	[sflag:s12] =	ssyncadd.s32 $0xFFFFFE80  }
0x1d: {  	_ =	swait.ge [sflag:s12], $0x1388  }
0x1e: {  	[sflag:s12] =	ssyncset.done $0x0  }
0x1f: {  	[sflag:s12] =	ssyncadd.s32 $0xFFFFEC78  }
0x20: {  	_ =	swait.ge [sflag:s12], $0x1388  }
0x21: {  	s16 =	simm.s32 $0x60;
	s17 =	simm.s32 $0x1460;
	[sflag:s12] =	ssyncset.done $0x0  }
0x22: {  	s18 =	simm.s32 $0x2860;
	s19 =	simm.s32 $0x0;
	[sflag:s12] =	ssyncadd.s32 $0xFFFFEC78  }
.LBB2_2:
0x23: {  	v1 =	vld [tilespmem:s16+$0xFFFFFFA0];
	_ =	sdelay $0x1  }
0x24: {  	v2 =	vld [tilespmem:s17+$0xFFFFFFA0];
	_ =	sdelay $0x2  }
0x25: {  	v1 =	vadd.s32 $0xFFFFFFFF, v1;
	_ =	sdelay $0x1  }
0x26: {  	v2 =	vadd.s32 $0xFFFFFFFF, v2;
	_ =	sdelay $0x2  }
0x27: {  	v1 =	vld.idx.msk [tilespmem:v1+s9+$0x0], $0xffff;
	_ =	sdelay $0x1  }
0x28: {  	v2 =	vld.idx.msk [tilespmem:v2+s9+$0x0], $0xffff;
	_ =	sdelay $0x2  }
0x29: {  	v1 =	vmul.u32 $0x11, v1;
	_ =	sdelay $0x1  }
0x2a: {  	v1 =	vadd.s32 v1, v2;
	_ =	sdelay $0x4  }
0x2b: {  	v1 =	vld.idx.msk [tilespmem:v1+s10+$0x0], $0xffff;
	_ =	sdelay $0x4  }
0x2c: {  	[tilespmem:s18+$0xFFFFFFA0] =	vst v1  }
0x2d: {  	v1 =	vld [tilespmem:s16+$0xFFFFFFB0];
	_ =	sdelay $0x1  }
0x2e: {  	v2 =	vld [tilespmem:s17+$0xFFFFFFB0];
	_ =	sdelay $0x2  }
0x2f: {  	v1 =	vadd.s32 $0xFFFFFFFF, v1;
	_ =	sdelay $0x1  }
0x30: {  	v2 =	vadd.s32 $0xFFFFFFFF, v2;
	_ =	sdelay $0x2  }
0x31: {  	v1 =	vld.idx.msk [tilespmem:v1+s9+$0x0], $0xffff;
	_ =	sdelay $0x1  }
0x32: {  	v2 =	vld.idx.msk [tilespmem:v2+s9+$0x0], $0xffff;
	_ =	sdelay $0x2  }
0x33: {  	v1 =	vmul.u32 $0x11, v1;
	_ =	sdelay $0x1  }
0x34: {  	v1 =	vadd.s32 v1, v2;
	_ =	sdelay $0x4  }
0x35: {  	v1 =	vld.idx.msk [tilespmem:v1+s10+$0x0], $0xffff;
	_ =	sdelay $0x4  }
0x36: {  	[tilespmem:s18+$0xFFFFFFB0] =	vst v1  }
0x37: {  	v1 =	vld [tilespmem:s16+$0xFFFFFFC0];
	_ =	sdelay $0x1  }
0x38: {  	v2 =	vld [tilespmem:s17+$0xFFFFFFC0];
	_ =	sdelay $0x2  }
0x39: {  	v1 =	vadd.s32 $0xFFFFFFFF, v1;
	_ =	sdelay $0x1  }
0x3a: {  	v2 =	vadd.s32 $0xFFFFFFFF, v2;
	_ =	sdelay $0x2  }
0x3b: {  	v1 =	vld.idx.msk [tilespmem:v1+s9+$0x0], $0xffff;
	_ =	sdelay $0x1  }
0x3c: {  	v2 =	vld.idx.msk [tilespmem:v2+s9+$0x0], $0xffff;
	_ =	sdelay $0x2  }
0x3d: {  	v1 =	vmul.u32 $0x11, v1;
	_ =	sdelay $0x1  }
0x3e: {  	v1 =	vadd.s32 v1, v2;
	_ =	sdelay $0x4  }
0x3f: {  	v1 =	vld.idx.msk [tilespmem:v1+s10+$0x0], $0xffff;
	_ =	sdelay $0x4  }
0x40: {  	[tilespmem:s18+$0xFFFFFFC0] =	vst v1  }
0x41: {  	v1 =	vld [tilespmem:s16+$0xFFFFFFD0];
	_ =	sdelay $0x1  }
0x42: {  	v2 =	vld [tilespmem:s17+$0xFFFFFFD0];
	_ =	sdelay $0x2  }
0x43: {  	v1 =	vadd.s32 $0xFFFFFFFF, v1;
	_ =	sdelay $0x1  }
0x44: {  	v2 =	vadd.s32 $0xFFFFFFFF, v2;
	_ =	sdelay $0x2  }
0x45: {  	v1 =	vld.idx.msk [tilespmem:v1+s9+$0x0], $0xffff;
	_ =	sdelay $0x1  }
0x46: {  	v2 =	vld.idx.msk [tilespmem:v2+s9+$0x0], $0xffff;
	_ =	sdelay $0x2  }
0x47: {  	v1 =	vmul.u32 $0x11, v1;
	_ =	sdelay $0x1  }
0x48: {  	v1 =	vadd.s32 v1, v2;
	_ =	sdelay $0x4  }
0x49: {  	v1 =	vld.idx.msk [tilespmem:v1+s10+$0x0], $0xffff;
	_ =	sdelay $0x4  }
0x4a: {  	[tilespmem:s18+$0xFFFFFFD0] =	vst v1  }
0x4b: {  	v1 =	vld [tilespmem:s16+$0xFFFFFFE0];
	_ =	sdelay $0x1  }
0x4c: {  	v2 =	vld [tilespmem:s17+$0xFFFFFFE0];
	_ =	sdelay $0x2  }
0x4d: {  	v1 =	vadd.s32 $0xFFFFFFFF, v1;
	_ =	sdelay $0x1  }
0x4e: {  	v2 =	vadd.s32 $0xFFFFFFFF, v2;
	_ =	sdelay $0x2  }
0x4f: {  	v1 =	vld.idx.msk [tilespmem:v1+s9+$0x0], $0xffff;
	_ =	sdelay $0x1  }
0x50: {  	v2 =	vld.idx.msk [tilespmem:v2+s9+$0x0], $0xffff;
	_ =	sdelay $0x2  }
0x51: {  	v1 =	vmul.u32 $0x11, v1;
	_ =	sdelay $0x1  }
0x52: {  	v1 =	vadd.s32 v1, v2;
	_ =	sdelay $0x4  }
0x53: {  	v1 =	vld.idx.msk [tilespmem:v1+s10+$0x0], $0xffff;
	_ =	sdelay $0x4  }
0x54: {  	[tilespmem:s18+$0xFFFFFFE0] =	vst v1  }
0x55: {  	v1 =	vld [tilespmem:s16+$0xFFFFFFF0];
	_ =	sdelay $0x1  }
0x56: {  	v2 =	vld [tilespmem:s17+$0xFFFFFFF0];
	_ =	sdelay $0x2  }
0x57: {  	v1 =	vadd.s32 $0xFFFFFFFF, v1;
	_ =	sdelay $0x1  }
0x58: {  	v2 =	vadd.s32 $0xFFFFFFFF, v2;
	_ =	sdelay $0x2  }
0x59: {  	v1 =	vld.idx.msk [tilespmem:v1+s9+$0x0], $0xffff;
	_ =	sdelay $0x1  }
0x5a: {  	v2 =	vld.idx.msk [tilespmem:v2+s9+$0x0], $0xffff;
	_ =	sdelay $0x2  }
0x5b: {  	v1 =	vmul.u32 $0x11, v1;
	_ =	sdelay $0x1  }
0x5c: {  	v1 =	vadd.s32 v1, v2;
	_ =	sdelay $0x4  }
0x5d: {  	v1 =	vld.idx.msk [tilespmem:v1+s10+$0x0], $0xffff;
	_ =	sdelay $0x4  }
0x5e: {  	[tilespmem:s18+$0xFFFFFFF0] =	vst v1  }
0x5f: {  	v1 =	vld [tilespmem:s16+$0x0];
	_ =	sdelay $0x1  }
0x60: {  	v2 =	vld [tilespmem:s17+$0x0];
	_ =	sdelay $0x2  }
0x61: {  	v1 =	vadd.s32 $0xFFFFFFFF, v1;
	_ =	sdelay $0x1  }
0x62: {  	v2 =	vadd.s32 $0xFFFFFFFF, v2;
	_ =	sdelay $0x2  }
0x63: {  	v1 =	vld.idx.msk [tilespmem:v1+s9+$0x0], $0xffff;
	_ =	sdelay $0x1  }
0x64: {  	v2 =	vld.idx.msk [tilespmem:v2+s9+$0x0], $0xffff;
	_ =	sdelay $0x2  }
0x65: {  	v1 =	vmul.u32 $0x11, v1;
	_ =	sdelay $0x1  }
0x66: {  	v1 =	vadd.s32 v1, v2;
	_ =	sdelay $0x4  }
0x67: {  	v1 =	vld.idx.msk [tilespmem:v1+s10+$0x0], $0xffff;
	_ =	sdelay $0x4  }
0x68: {  	[tilespmem:s18+$0x0] =	vst v1  }
0x69: {  	v1 =	vld [tilespmem:s16+$0x10];
	_ =	sdelay $0x1  }
0x6a: {  	v2 =	vld [tilespmem:s17+$0x10];
	_ =	sdelay $0x2  }
0x6b: {  	v1 =	vadd.s32 $0xFFFFFFFF, v1;
	_ =	sdelay $0x1  }
0x6c: {  	v2 =	vadd.s32 $0xFFFFFFFF, v2;
	_ =	sdelay $0x2  }
0x6d: {  	v1 =	vld.idx.msk [tilespmem:v1+s9+$0x0], $0xffff;
	_ =	sdelay $0x1  }
0x6e: {  	v2 =	vld.idx.msk [tilespmem:v2+s9+$0x0], $0xffff;
	_ =	sdelay $0x2  }
0x6f: {  	v1 =	vmul.u32 $0x11, v1;
	_ =	sdelay $0x1  }
0x70: {  	v1 =	vadd.s32 v1, v2;
	_ =	sdelay $0x4  }
0x71: {  	v1 =	vld.idx.msk [tilespmem:v1+s10+$0x0], $0xffff;
	_ =	sdelay $0x4  }
0x72: {  	s20 =	sand.u32 $0x1FF0, s19;
	[tilespmem:s18+$0x10] =	vst v1  }
0x73: {  	v1 =	vld [tilespmem:s20+$0x80];
	_ =	sdelay $0x1  }
0x74: {  	v2 =	vld [tilespmem:s20+$0x1480];
	_ =	sdelay $0x2  }
0x75: {  	v1 =	vadd.s32 $0xFFFFFFFF, v1;
	_ =	sdelay $0x1  }
0x76: {  	v2 =	vadd.s32 $0xFFFFFFFF, v2;
	_ =	sdelay $0x2  }
0x77: {  	v1 =	vld.idx.msk [tilespmem:v1+s9+$0x0], $0xffff;
	_ =	sdelay $0x1  }
0x78: {  	v2 =	vld.idx.msk [tilespmem:v2+s9+$0x0], $0xffff;
	_ =	sdelay $0x2  }
0x79: {  	v1 =	vmul.u32 $0x11, v1;
	_ =	sdelay $0x1  }
0x7a: {  	v1 =	vadd.s32 v1, v2;
	_ =	sdelay $0x4  }
0x7b: {  	v1 =	vld.idx.msk [tilespmem:v1+s10+$0x0], $0xffff;
	_ =	sdelay $0x4  }
0x7c: {  	[tilespmem:s20+$0x2880] =	vst v1  }
0x7d: {  	v1 =	vld [tilespmem:s16+$0x30];
	_ =	sdelay $0x1  }
0x7e: {  	v2 =	vld [tilespmem:s17+$0x30];
	_ =	sdelay $0x2  }
0x7f: {  	v1 =	vadd.s32 $0xFFFFFFFF, v1;
	_ =	sdelay $0x1  }
0x80: {  	v2 =	vadd.s32 $0xFFFFFFFF, v2;
	_ =	sdelay $0x2  }
0x81: {  	v1 =	vld.idx.msk [tilespmem:v1+s9+$0x0], $0xffff;
	_ =	sdelay $0x1  }
0x82: {  	v2 =	vld.idx.msk [tilespmem:v2+s9+$0x0], $0xffff;
	_ =	sdelay $0x2  }
0x83: {  	v1 =	vmul.u32 $0x11, v1;
	_ =	sdelay $0x1  }
0x84: {  	v1 =	vadd.s32 v1, v2;
	_ =	sdelay $0x4  }
0x85: {  	v1 =	vld.idx.msk [tilespmem:v1+s10+$0x0], $0xffff;
	_ =	sdelay $0x4  }
0x86: {  	[tilespmem:s18+$0x30] =	vst v1  }
0x87: {  	v1 =	vld [tilespmem:s16+$0x40];
	_ =	sdelay $0x1  }
0x88: {  	v2 =	vld [tilespmem:s17+$0x40];
	_ =	sdelay $0x2  }
0x89: {  	v1 =	vadd.s32 $0xFFFFFFFF, v1;
	_ =	sdelay $0x1  }
0x8a: {  	v2 =	vadd.s32 $0xFFFFFFFF, v2;
	_ =	sdelay $0x2  }
0x8b: {  	v1 =	vld.idx.msk [tilespmem:v1+s9+$0x0], $0xffff;
	_ =	sdelay $0x1  }
0x8c: {  	v2 =	vld.idx.msk [tilespmem:v2+s9+$0x0], $0xffff;
	_ =	sdelay $0x2  }
0x8d: {  	v1 =	vmul.u32 $0x11, v1;
	_ =	sdelay $0x1  }
0x8e: {  	v1 =	vadd.s32 v1, v2;
	_ =	sdelay $0x4  }
0x8f: {  	v1 =	vld.idx.msk [tilespmem:v1+s10+$0x0], $0xffff;
	_ =	sdelay $0x4  }
0x90: {  	[tilespmem:s18+$0x40] =	vst v1  }
0x91: {  	v1 =	vld [tilespmem:s16+$0x50];
	_ =	sdelay $0x1  }
0x92: {  	v2 =	vld [tilespmem:s17+$0x50];
	_ =	sdelay $0x2  }
0x93: {  	v1 =	vadd.s32 $0xFFFFFFFF, v1;
	_ =	sdelay $0x1  }
0x94: {  	v2 =	vadd.s32 $0xFFFFFFFF, v2;
	_ =	sdelay $0x2  }
0x95: {  	v1 =	vld.idx.msk [tilespmem:v1+s9+$0x0], $0xffff;
	_ =	sdelay $0x1  }
0x96: {  	v2 =	vld.idx.msk [tilespmem:v2+s9+$0x0], $0xffff;
	_ =	sdelay $0x2  }
0x97: {  	v1 =	vmul.u32 $0x11, v1;
	_ =	sdelay $0x1  }
0x98: {  	v1 =	vadd.s32 v1, v2;
	_ =	sdelay $0x4  }
0x99: {  	v1 =	vld.idx.msk [tilespmem:v1+s10+$0x0], $0xffff;
	_ =	sdelay $0x4  }
0x9a: {  	[tilespmem:s18+$0x50] =	vst v1  }
0x9b: {  	v1 =	vld [tilespmem:s16+$0x60];
	_ =	sdelay $0x1  }
0x9c: {  	v2 =	vld [tilespmem:s17+$0x60];
	_ =	sdelay $0x2  }
0x9d: {  	v1 =	vadd.s32 $0xFFFFFFFF, v1;
	_ =	sdelay $0x1  }
0x9e: {  	v2 =	vadd.s32 $0xFFFFFFFF, v2;
	_ =	sdelay $0x2  }
0x9f: {  	v1 =	vld.idx.msk [tilespmem:v1+s9+$0x0], $0xffff;
	_ =	sdelay $0x1  }
0xa0: {  	v2 =	vld.idx.msk [tilespmem:v2+s9+$0x0], $0xffff;
	_ =	sdelay $0x2  }
0xa1: {  	v1 =	vmul.u32 $0x11, v1;
	_ =	sdelay $0x1  }
0xa2: {  	v1 =	vadd.s32 v1, v2;
	_ =	sdelay $0x4  }
0xa3: {  	p0 =	sne.s32 s19, $0x12B0;
	v1 =	vld.idx.msk [tilespmem:v1+s10+$0x0], $0xffff  }
.Ltmp0:
0xa4: {  	_ = 	snop;
	(pc) =	sbr.rel @p0 .LBB2_2-.Ltmp0, $3  }
0xa5: {  	_ =	sdelay $0x1  }
0xa6: {  	s19 =	sadd.s32 $0xD0, s19  }
0xa7: {  	s16 =	sadd.s32 $0xD0, s16;
	s17 =	sadd.s32 $0xD0, s17;
	[tilespmem:s18+$0x60] =	vst v1;
	s18 =	sadd.s32 $0xD0, s18  }
0xa8: {  	v1 =	vld [tilespmem:$0x1380];
	_ =	sdelay $0x1  }
0xa9: {  	v2 =	vld [tilespmem:$0x2780];
	_ =	sdelay $0x2  }
0xaa: {  	v1 =	vadd.s32 $0xFFFFFFFF, v1;
	_ =	sdelay $0x1  }
0xab: {  	v2 =	vadd.s32 $0xFFFFFFFF, v2;
	_ =	sdelay $0x2  }
0xac: {  	v1 =	vld.idx.msk [tilespmem:v1+s9+$0x0], $0xffff;
	_ =	sdelay $0x1  }
0xad: {  	v2 =	vld.idx.msk [tilespmem:v2+s9+$0x0], $0xffff;
	_ =	sdelay $0x2  }
0xae: {  	v1 =	vmul.u32 $0x11, v1;
	_ =	sdelay $0x1  }
0xaf: {  	v1 =	vadd.s32 v1, v2;
	_ =	sdelay $0x4  }
0xb0: {  	v1 =	vld.idx.msk [tilespmem:v1+s10+$0x0], $0xffff;
	_ =	sdelay $0x2  }
0xb1: {  	s15 =	sadd.s32 $0x1, s15  }
0xb2: {  	p0 =	sne.s32 s15, s8  }
.Ltmp1:
0xb3: {  	[tilespmem:$0x3B80] =	vst v1;
	(pc) =	sbr.rel @p0 .LBB2_1-.Ltmp1, $4  }
0xb4: {  	[hbm4b:s7+s3] =	stream.linear.scatter [tilespmem:s13], [sflag:$0x2], $0x1388, $0x38;
	[tilespmem:$0x3E00] =	vst v63  }
0xb5: {  	_ =	swait.ge [sflag:s14], $0x1388  }
0xb6: {  	[sflag:s14] =	ssyncset.done $0x0  }
0xb7: {  	[sflag:s14] =	ssyncadd.s32 $0xFFFFEC78  }
0xb8: {  	_ =	sfence.sel $0x180000  }
0xb9: {  	[bflag:$0x0] =	sbarrier.arrive $0xFFFF  }
0xba: {  	p0 =	sne.s32 s0, $0x0;
	_ =	strace $0x90000047  }
0xbb: {  	s0 =	sadd.s32 @!p0 $0x100000, s2;
	[bflag:$0x2] =	sbarrier.arrive $0xFFFF  }
0xbc: {  	[sflag:s0] =	ssyncadd.tile.s32 @!p0 $0x1;
	_ =	shalt  }
.Lfunc_end2:
_tile_overlayer_lowered:
.L_overlay_start_2:
0xbd: {  	(tag) =	ssettag $0x2  }
0xbe: {  	s0 =	rddreg [dreg:$0x0];
	s2 =	stileid.u32  }
0xbf: {  	s1 =	rddreg [dreg:$0x1];
	p0 =	sne.s32 s2, $0x0  }
0xc0: {  	s3 =	rddreg [dreg:$0x2];
	[bflag:$0x3] =	sbarrier.arrive $0xFFFF;
	s2 =	simm.s32 @!p0 $0x1C02  }
0xc1: {  	[timem:s3], [sflag:s2] =	dma.local @!p0 [hbm:s0], s1  }
0xc2: {  	s0 =	simm.s32 @!p0 $0x2  }
0xc3: {  	_ =	swait.ge @!p0 [sflag:s0], s1  }
0xc4: {  	s1 =	ssub.s32 @!p0 $0x0, s1;
	[sflag:s0] =	ssyncset.done @!p0 $0x0  }
0xc5: {  	[sflag:s0] =	ssyncadd.s32 @!p0 s1  }
0xc6: {  	[bflag:$0x3] =	sbarrier.arrive $0xFFFF  }
0xc7: {  	_ =	shalt  }

</sc_bundles>
